<compile_context>
chip_gen: v7x
topology: tpu7x:2x2x1
jax: 0.10.2.dev20260603
libtpu: 0.0.44.dev20260713+nightly
codegen_flags: <defaults>
</compile_context>

<pallas_src>
import jax
import jax.numpy as jnp
from jax import lax
from jax.experimental import pallas as pl
from jax.experimental.pallas import tpu as pltpu
from jax.experimental.pallas import tpu_sc as plsc

H = 16
L = 2048
TAB = 2 * L - 1
TAB_PAD = 4096
VW = 3968
NC, NS = 2, 16
NW = NC * NS
NCLS = 16
CPW = NCLS // 2
KPC = L // 8 // NCLS


def _sc_body(bias_hbm, out_hbm, buf, vshift, sem):
    cid = lax.axis_index("c")
    sid = lax.axis_index("s")
    w = cid * NS + sid
    h = w // 2
    par = w % 2

    pltpu.sync_copy(bias_hbm.at[h], buf)

    def do_class(cc, carry):
        p = cc % 2
        c = 2 * cc + par
        r = 120 - 8 * c

        @pl.when(cc >= 2)
        def _():
            for _ in range(KPC):
                pltpu.make_async_copy(
                    vshift.at[0, :, pl.ds(0, L)],
                    out_hbm.at[0, pl.ds(0, 8), :],
                    sem,
                ).wait()

        def build(k, carry2):
            base = k * 16
            for b in range(8):
                vshift[p, b, pl.ds(base, 16)] = buf[pl.ds(base + r + (7 - b), 16)]
            return carry2

        lax.fori_loop(0, VW // 16, build, 0, unroll=2)

        for k in range(KPC):
            off128 = pl.multiple_of(1920 - 128 * k, 128)
            row0 = pl.multiple_of(128 * k + 8 * c, 8)
            pltpu.async_copy(
                vshift.at[p, :, pl.ds(off128, L)],
                out_hbm.at[h, pl.ds(row0, 8), :],
                sem,
            )
        return carry

    lax.fori_loop(0, CPW, do_class, 0)

    for _ in range(2 * KPC):
        pltpu.make_async_copy(
            vshift.at[0, :, pl.ds(0, L)], out_hbm.at[0, pl.ds(0, 8), :], sem
        ).wait()


def kernel(bias, length):
    del length
    bias_t = jnp.zeros((H, TAB_PAD), jnp.float32).at[:, :TAB].set(bias.T)

    fn = pl.kernel(
        _sc_body,
        out_type=jax.ShapeDtypeStruct((H, L, L), jnp.float32),
        mesh=plsc.VectorSubcoreMesh(core_axis_name="c", subcore_axis_name="s"),
        scratch_types=[
            pltpu.VMEM((TAB_PAD,), jnp.float32),
            pltpu.VMEM((2, 8, VW), jnp.float32),
            pltpu.SemaphoreType.DMA,
        ],
        compiler_params=pltpu.CompilerParams(needs_layout_passes=False),
    )
    return fn(bias_t)

# --- scband reference (transcript-rebuilt; emitter-appended) ---
"""Pipeline reference for scband-relative-positional-encoding-57543971831903 (READ-ONLY COPY).

The authoritative reference and input builder live on the scoring server;
editing this copy changes nothing except your own understanding.
"""

import jax, jax.numpy as jnp
import numpy as np

MAX_LEN = 2048
N_HEADS = 16
LENGTH = 2048


def setup_inputs(seed: int = 0) -> dict:
    key = jax.random.key(seed)
    bias = jax.random.normal(key, (2 * MAX_LEN - 1, N_HEADS), dtype=jnp.float32) * 0.02
    return {"bias": bias, "length": LENGTH}


def reference(bias, length):
    max_len = (bias.shape[0] + 1) // 2
    static_length = max_len  # setup_inputs always passes length == MAX_LEN
    length_zero = (jnp.asarray(length) * 0).astype(jnp.int32)
    positions = jnp.arange(static_length) + length_zero
    relative = positions[None, :] - positions[:, None] + max_len - 1
    relative = jnp.clip(relative, 0, 2 * max_len - 2)
    out = jnp.take(bias, relative, axis=0)  # [L, L, H]
    return jnp.transpose(out, (2, 0, 1))    # [H, L, L]

if __name__ == "__main__":
    import jax
    _d = setup_inputs()
    print(jax.jit(kernel)(*tuple(_d.values())))

</pallas_src>

<mosaic_0001>
#map = affine_map<(d0, d1) -> (0, 0)>
#map1 = affine_map<(d0, d1) -> (0, 0, 0)>
module attributes {stable_mosaic.version = 14 : i64} {
  func.func @_sc_body(%arg0: i32, %arg1: i32, %arg2: memref<16x4096xf32, #tpu.memory_space<hbm>>, %arg3: memref<16x2048x2048xf32, #tpu.memory_space<hbm>>, %arg4: memref<4096xf32, #tpu.memory_space<vmem>>, %arg5: memref<2x8x3968xf32, #tpu.memory_space<vmem>>, %arg6: memref<!tpu.dma_semaphore, #tpu.memory_space<semaphore_mem>>) attributes {dimension_semantics = [#tpu.dimension_semantics<core_parallel>, #tpu.dimension_semantics<subcore_parallel>], iteration_bounds = array<i64: 2, 16>, scalar_prefetch = 0 : i64, scratch_operands = 3 : i64, tpu.core_type = #tpu.core_type<sc_vector_subcore>, window_params = [{transform_indices = #map}, {transform_indices = #map1}]} {
    %mul3A = arith.constant 16 : i32
    %mul3A_0 = arith.muli %arg0, %mul3A : i32
    %add3A = arith.addi %mul3A_0, %arg1 : i32
    %jit3A = arith.constant 2 : i32
    %div3A = arith.divsi %add3A, %jit3A : i32
    %sign3A = arith.constant 0 : i32
    %sign3A_1 = arith.cmpi sgt, %add3A, %sign3A : i32
    %sign3A_2 = arith.extui %sign3A_1 : i1 to i32
    %sign3A_3 = arith.constant 0 : i32
    %sign3A_4 = arith.cmpi slt, %add3A, %sign3A_3 : i32
    %sign3A_5 = arith.extui %sign3A_4 : i1 to i32
    %sign3A_6 = arith.subi %sign3A_2, %sign3A_5 : i32
    %sign3A_7 = arith.constant 0 : i32
    %sign3A_8 = arith.cmpi sgt, %jit3A, %sign3A_7 : i32
    %sign3A_9 = arith.extui %sign3A_8 : i1 to i32
    %sign3A_10 = arith.constant 0 : i32
    %sign3A_11 = arith.cmpi slt, %jit3A, %sign3A_10 : i32
    %sign3A_12 = arith.extui %sign3A_11 : i1 to i32
    %sign3A_13 = arith.subi %sign3A_9, %sign3A_12 : i32
    %ne3A = arith.cmpi ne, %sign3A_6, %sign3A_13 : i32
    %rem3A = arith.remsi %add3A, %jit3A : i32
    %ne3A_14 = arith.constant 0 : i32
    %ne3A_15 = arith.cmpi ne, %rem3A, %ne3A_14 : i32
    %and3A = arith.andi %ne3A, %ne3A_15 : i1
    %sub3A = arith.constant 1 : i32
    %sub3A_16 = arith.subi %div3A, %sub3A : i32
    %select_n3A = arith.select %and3A, %sub3A_16, %div3A : i32
    %jit3A_17 = arith.constant 2 : i32
    %eq3A = arith.constant 0 : i32
    %eq3A_18 = arith.cmpi eq, %jit3A_17, %eq3A : i32
    %jit3A_19 = arith.constant 1 : i32
    %select_n3A_20 = arith.select %eq3A_18, %jit3A_19, %jit3A_17 : i32
    %rem3A_21 = arith.remsi %add3A, %select_n3A_20 : i32
    %ne3A_22 = arith.constant 0 : i32
    %ne3A_23 = arith.cmpi ne, %rem3A_21, %ne3A_22 : i32
    %lt3A = arith.constant 0 : i32
    %lt3A_24 = arith.cmpi slt, %rem3A_21, %lt3A : i32
    %lt3A_25 = arith.constant 0 : i32
    %lt3A_26 = arith.cmpi slt, %select_n3A_20, %lt3A_25 : i32
    %ne3A_27 = arith.xori %lt3A_24, %lt3A_26 : i1
    %and3A_28 = arith.andi %ne3A_27, %ne3A_23 : i1
    %add3A_29 = arith.addi %rem3A_21, %select_n3A_20 : i32
    %select_n3A_30 = arith.select %and3A_28, %add3A_29, %rem3A_21 : i32
    "tpu.region"() ({
      %run_scoped3A = tpu.sem_alloc : memref<!tpu.dma_semaphore, #tpu.memory_space<semaphore_mem>>
      %dma_start3A = arith.constant 0 : i32
      %dma_start3A_611 = tpu.memref_slice %arg2[%select_n3A, %dma_start3A] : memref<16x4096xf32, #tpu.memory_space<hbm>> -> memref<1x4096xf32, #tpu.memory_space<hbm>>
      %dma_start3A_612 = tpu.memref_squeeze %dma_start3A_611 : memref<1x4096xf32, #tpu.memory_space<hbm>> -> memref<4096xf32, #tpu.memory_space<hbm>>
      %dma_start3A_613 = arith.constant 0 : i32
      %dma_start3A_614 = tpu.memref_slice %arg2[%select_n3A, %dma_start3A_613] : memref<16x4096xf32, #tpu.memory_space<hbm>> -> memref<1x4096xf32, #tpu.memory_space<hbm>>
      %dma_start3A_615 = tpu.memref_squeeze %dma_start3A_614 : memref<1x4096xf32, #tpu.memory_space<hbm>> -> memref<4096xf32, #tpu.memory_space<hbm>>
      tpu.enqueue_dma source(%dma_start3A_615 : memref<4096xf32, #tpu.memory_space<hbm>>) target(%arg4 : memref<4096xf32, #tpu.memory_space<vmem>>) target_semaphore(%run_scoped3A : memref<!tpu.dma_semaphore, #tpu.memory_space<semaphore_mem>>)
      %dma_wait3A_616 = arith.constant 0 : i32
      %dma_wait3A_617 = tpu.memref_slice %arg2[%select_n3A, %dma_wait3A_616] : memref<16x4096xf32, #tpu.memory_space<hbm>> -> memref<1x4096xf32, #tpu.memory_space<hbm>>
      %dma_wait3A_618 = tpu.memref_squeeze %dma_wait3A_617 : memref<1x4096xf32, #tpu.memory_space<hbm>> -> memref<4096xf32, #tpu.memory_space<hbm>>
      %dma_wait3A_619 = arith.constant 0 : i32
      %dma_wait3A_620 = tpu.memref_slice %arg2[%select_n3A, %dma_wait3A_619] : memref<16x4096xf32, #tpu.memory_space<hbm>> -> memref<1x4096xf32, #tpu.memory_space<hbm>>
      %dma_wait3A_621 = tpu.memref_squeeze %dma_wait3A_620 : memref<1x4096xf32, #tpu.memory_space<hbm>> -> memref<4096xf32, #tpu.memory_space<hbm>>
      tpu.wait_dma2 semaphore(%run_scoped3A : memref<!tpu.dma_semaphore, #tpu.memory_space<semaphore_mem>>) src(%dma_wait3A_621 : memref<4096xf32, #tpu.memory_space<hbm>>) dst(%arg4 : memref<4096xf32, #tpu.memory_space<vmem>>)
      tpu.yield
    }) : () -> ()
    %scan3A = arith.constant 0 : i32
    %scan3A_31 = arith.constant 0 : i32
    %scan3A_32 = arith.constant 8 : i32
    %scan3A_33 = arith.addi %scan3A_31, %scan3A_32 : i32
    %scan3A_34 = arith.constant 1 : i32
    scf.for %scan3A_611 = %scan3A_31 to %scan3A_33 step %scan3A_34  : i32 {
      %jit3A_612 = arith.constant 2 : i32
      %eq3A_613 = arith.constant 0 : i32
      %eq3A_614 = arith.cmpi eq, %jit3A_612, %eq3A_613 : i32
      %jit3A_615 = arith.constant 1 : i32
      %select_n3A_616 = arith.select %eq3A_614, %jit3A_615, %jit3A_612 : i32
      %rem3A_617 = arith.remsi %scan3A_611, %select_n3A_616 : i32
      %ne3A_618 = arith.constant 0 : i32
      %ne3A_619 = arith.cmpi ne, %rem3A_617, %ne3A_618 : i32
      %lt3A_620 = arith.constant 0 : i32
      %lt3A_621 = arith.cmpi slt, %rem3A_617, %lt3A_620 : i32
      %lt3A_622 = arith.constant 0 : i32
      %lt3A_623 = arith.cmpi slt, %select_n3A_616, %lt3A_622 : i32
      %ne3A_624 = arith.xori %lt3A_621, %lt3A_623 : i1
      %and3A_625 = arith.andi %ne3A_624, %ne3A_619 : i1
      %add3A_626 = arith.addi %rem3A_617, %select_n3A_616 : i32
      %select_n3A_627 = arith.select %and3A_625, %add3A_626, %rem3A_617 : i32
      %mul3A_628 = arith.constant 2 : i32
      %mul3A_629 = arith.muli %mul3A_628, %scan3A_611 : i32
      %add3A_630 = arith.addi %mul3A_629, %select_n3A_30 : i32
      %mul3A_631 = arith.constant 8 : i32
      %mul3A_632 = arith.muli %mul3A_631, %add3A_630 : i32
      %sub3A_633 = arith.constant 120 : i32
      %sub3A_634 = arith.subi %sub3A_633, %mul3A_632 : i32
      %ge3A = arith.constant 2 : i32
      %ge3A_635 = arith.cmpi sge, %scan3A_611, %ge3A : i32
      %convert_element_type3A = arith.extui %ge3A_635 : i1 to i32
      %cond3A = arith.constant 0 : i32
      %cond3A_636 = arith.cmpi ne, %convert_element_type3A, %cond3A : i32
      scf.if %cond3A_636 {
        %dma_wait3A_945 = arith.constant 0 : i32
        %dma_wait3A_946 = arith.constant 0 : i32
        %dma_wait3A_947 = arith.constant 0 : i32
        %dma_wait3A_948 = arith.constant 0 : i32
        %dma_wait3A_949 = tpu.memref_slice %arg5[%dma_wait3A_945, %dma_wait3A_947, %dma_wait3A_948] : memref<2x8x3968xf32, #tpu.memory_space<vmem>> -> memref<1x8x2048xf32, #tpu.memory_space<vmem>>
        %dma_wait3A_950 = tpu.memref_squeeze %dma_wait3A_949 : memref<1x8x2048xf32, #tpu.memory_space<vmem>> -> memref<8x2048xf32, #tpu.memory_space<vmem>>
        %dma_wait3A_951 = arith.constant 0 : i32
        %dma_wait3A_952 = arith.constant 0 : i32
        %dma_wait3A_953 = tpu.memref_slice %arg3[%dma_wait3A_946, %dma_wait3A_951, %dma_wait3A_952] : memref<16x2048x2048xf32, #tpu.memory_space<hbm>> -> memref<1x8x2048xf32, #tpu.memory_space<hbm>>
        %dma_wait3A_954 = tpu.memref_squeeze %dma_wait3A_953 : memref<1x8x2048xf32, #tpu.memory_space<hbm>> -> memref<8x2048xf32, #tpu.memory_space<hbm>>
        %dma_wait3A_955 = arith.constant 0 : i32
        %dma_wait3A_956 = arith.constant 0 : i32
        %dma_wait3A_957 = tpu.memref_slice %arg3[%dma_wait3A_946, %dma_wait3A_955, %dma_wait3A_956] : memref<16x2048x2048xf32, #tpu.memory_space<hbm>> -> memref<1x8x2048xf32, #tpu.memory_space<hbm>>
        %dma_wait3A_958 = tpu.memref_squeeze %dma_wait3A_957 : memref<1x8x2048xf32, #tpu.memory_space<hbm>> -> memref<8x2048xf32, #tpu.memory_space<hbm>>
        %dma_wait3A_959 = arith.constant 0 : i32
        %dma_wait3A_960 = arith.constant 0 : i32
        %dma_wait3A_961 = tpu.memref_slice %arg5[%dma_wait3A_945, %dma_wait3A_959, %dma_wait3A_960] : memref<2x8x3968xf32, #tpu.memory_space<vmem>> -> memref<1x8x2048xf32, #tpu.memory_space<vmem>>
        %dma_wait3A_962 = tpu.memref_squeeze %dma_wait3A_961 : memref<1x8x2048xf32, #tpu.memory_space<vmem>> -> memref<8x2048xf32, #tpu.memory_space<vmem>>
        tpu.wait_dma2 semaphore(%arg6 : memref<!tpu.dma_semaphore, #tpu.memory_space<semaphore_mem>>) src(%dma_wait3A_962 : memref<8x2048xf32, #tpu.memory_space<vmem>>) dst(%dma_wait3A_958 : memref<8x2048xf32, #tpu.memory_space<hbm>>)
        %dma_wait3A_963 = arith.constant 0 : i32
        %dma_wait3A_964 = arith.constant 0 : i32
        %dma_wait3A_965 = arith.constant 0 : i32
        %dma_wait3A_966 = arith.constant 0 : i32
        %dma_wait3A_967 = tpu.memref_slice %arg5[%dma_wait3A_963, %dma_wait3A_965, %dma_wait3A_966] : memref<2x8x3968xf32, #tpu.memory_space<vmem>> -> memref<1x8x2048xf32, #tpu.memory_space<vmem>>
        %dma_wait3A_968 = tpu.memref_squeeze %dma_wait3A_967 : memref<1x8x2048xf32, #tpu.memory_space<vmem>> -> memref<8x2048xf32, #tpu.memory_space<vmem>>
        %dma_wait3A_969 = arith.constant 0 : i32
        %dma_wait3A_970 = arith.constant 0 : i32
        %dma_wait3A_971 = tpu.memref_slice %arg3[%dma_wait3A_964, %dma_wait3A_969, %dma_wait3A_970] : memref<16x2048x2048xf32, #tpu.memory_space<hbm>> -> memref<1x8x2048xf32, #tpu.memory_space<hbm>>
        %dma_wait3A_972 = tpu.memref_squeeze %dma_wait3A_971 : memref<1x8x2048xf32, #tpu.memory_space<hbm>> -> memref<8x2048xf32, #tpu.memory_space<hbm>>
        %dma_wait3A_973 = arith.constant 0 : i32
        %dma_wait3A_974 = arith.constant 0 : i32
        %dma_wait3A_975 = tpu.memref_slice %arg3[%dma_wait3A_964, %dma_wait3A_973, %dma_wait3A_974] : memref<16x2048x2048xf32, #tpu.memory_space<hbm>> -> memref<1x8x2048xf32, #tpu.memory_space<hbm>>
        %dma_wait3A_976 = tpu.memref_squeeze %dma_wait3A_975 : memref<1x8x2048xf32, #tpu.memory_space<hbm>> -> memref<8x2048xf32, #tpu.memory_space<hbm>>
        %dma_wait3A_977 = arith.constant 0 : i32
        %dma_wait3A_978 = arith.constant 0 : i32
        %dma_wait3A_979 = tpu.memref_slice %arg5[%dma_wait3A_963, %dma_wait3A_977, %dma_wait3A_978] : memref<2x8x3968xf32, #tpu.memory_space<vmem>> -> memref<1x8x2048xf32, #tpu.memory_space<vmem>>
        %dma_wait3A_980 = tpu.memref_squeeze %dma_wait3A_979 : memref<1x8x2048xf32, #tpu.memory_space<vmem>> -> memref<8x2048xf32, #tpu.memory_space<vmem>>
        tpu.wait_dma2 semaphore(%arg6 : memref<!tpu.dma_semaphore, #tpu.memory_space<semaphore_mem>>) src(%dma_wait3A_980 : memref<8x2048xf32, #tpu.memory_space<vmem>>) dst(%dma_wait3A_976 : memref<8x2048xf32, #tpu.memory_space<hbm>>)
        %dma_wait3A_981 = arith.constant 0 : i32
        %dma_wait3A_982 = arith.constant 0 : i32
        %dma_wait3A_983 = arith.constant 0 : i32
        %dma_wait3A_984 = arith.constant 0 : i32
        %dma_wait3A_985 = tpu.memref_slice %arg5[%dma_wait3A_981, %dma_wait3A_983, %dma_wait3A_984] : memref<2x8x3968xf32, #tpu.memory_space<vmem>> -> memref<1x8x2048xf32, #tpu.memory_space<vmem>>
        %dma_wait3A_986 = tpu.memref_squeeze %dma_wait3A_985 : memref<1x8x2048xf32, #tpu.memory_space<vmem>> -> memref<8x2048xf32, #tpu.memory_space<vmem>>
        %dma_wait3A_987 = arith.constant 0 : i32
        %dma_wait3A_988 = arith.constant 0 : i32
        %dma_wait3A_989 = tpu.memref_slice %arg3[%dma_wait3A_982, %dma_wait3A_987, %dma_wait3A_988] : memref<16x2048x2048xf32, #tpu.memory_space<hbm>> -> memref<1x8x2048xf32, #tpu.memory_space<hbm>>
        %dma_wait3A_990 = tpu.memref_squeeze %dma_wait3A_989 : memref<1x8x2048xf32, #tpu.memory_space<hbm>> -> memref<8x2048xf32, #tpu.memory_space<hbm>>
        %dma_wait3A_991 = arith.constant 0 : i32
        %dma_wait3A_992 = arith.constant 0 : i32
        %dma_wait3A_993 = tpu.memref_slice %arg3[%dma_wait3A_982, %dma_wait3A_991, %dma_wait3A_992] : memref<16x2048x2048xf32, #tpu.memory_space<hbm>> -> memref<1x8x2048xf32, #tpu.memory_space<hbm>>
        %dma_wait3A_994 = tpu.memref_squeeze %dma_wait3A_993 : memref<1x8x2048xf32, #tpu.memory_space<hbm>> -> memref<8x2048xf32, #tpu.memory_space<hbm>>
        %dma_wait3A_995 = arith.constant 0 : i32
        %dma_wait3A_996 = arith.constant 0 : i32
        %dma_wait3A_997 = tpu.memref_slice %arg5[%dma_wait3A_981, %dma_wait3A_995, %dma_wait3A_996] : memref<2x8x3968xf32, #tpu.memory_space<vmem>> -> memref<1x8x2048xf32, #tpu.memory_space<vmem>>
        %dma_wait3A_998 = tpu.memref_squeeze %dma_wait3A_997 : memref<1x8x2048xf32, #tpu.memory_space<vmem>> -> memref<8x2048xf32, #tpu.memory_space<vmem>>
        tpu.wait_dma2 semaphore(%arg6 : memref<!tpu.dma_semaphore, #tpu.memory_space<semaphore_mem>>) src(%dma_wait3A_998 : memref<8x2048xf32, #tpu.memory_space<vmem>>) dst(%dma_wait3A_994 : memref<8x2048xf32, #tpu.memory_space<hbm>>)
        %dma_wait3A_999 = arith.constant 0 : i32
        %dma_wait3A_1000 = arith.constant 0 : i32
        %dma_wait3A_1001 = arith.constant 0 : i32
        %dma_wait3A_1002 = arith.constant 0 : i32
        %dma_wait3A_1003 = tpu.memref_slice %arg5[%dma_wait3A_999, %dma_wait3A_1001, %dma_wait3A_1002] : memref<2x8x3968xf32, #tpu.memory_space<vmem>> -> memref<1x8x2048xf32, #tpu.memory_space<vmem>>
        %dma_wait3A_1004 = tpu.memref_squeeze %dma_wait3A_1003 : memref<1x8x2048xf32, #tpu.memory_space<vmem>> -> memref<8x2048xf32, #tpu.memory_space<vmem>>
        %dma_wait3A_1005 = arith.constant 0 : i32
        %dma_wait3A_1006 = arith.constant 0 : i32
        %dma_wait3A_1007 = tpu.memref_slice %arg3[%dma_wait3A_1000, %dma_wait3A_1005, %dma_wait3A_1006] : memref<16x2048x2048xf32, #tpu.memory_space<hbm>> -> memref<1x8x2048xf32, #tpu.memory_space<hbm>>
        %dma_wait3A_1008 = tpu.memref_squeeze %dma_wait3A_1007 : memref<1x8x2048xf32, #tpu.memory_space<hbm>> -> memref<8x2048xf32, #tpu.memory_space<hbm>>
        %dma_wait3A_1009 = arith.constant 0 : i32
        %dma_wait3A_1010 = arith.constant 0 : i32
        %dma_wait3A_1011 = tpu.memref_slice %arg3[%dma_wait3A_1000, %dma_wait3A_1009, %dma_wait3A_1010] : memref<16x2048x2048xf32, #tpu.memory_space<hbm>> -> memref<1x8x2048xf32, #tpu.memory_space<hbm>>
        %dma_wait3A_1012 = tpu.memref_squeeze %dma_wait3A_1011 : memref<1x8x2048xf32, #tpu.memory_space<hbm>> -> memref<8x2048xf32, #tpu.memory_space<hbm>>
        %dma_wait3A_1013 = arith.constant 0 : i32
        %dma_wait3A_1014 = arith.constant 0 : i32
        %dma_wait3A_1015 = tpu.memref_slice %arg5[%dma_wait3A_999, %dma_wait3A_1013, %dma_wait3A_1014] : memref<2x8x3968xf32, #tpu.memory_space<vmem>> -> memref<1x8x2048xf32, #tpu.memory_space<vmem>>
        %dma_wait3A_1016 = tpu.memref_squeeze %dma_wait3A_1015 : memref<1x8x2048xf32, #tpu.memory_space<vmem>> -> memref<8x2048xf32, #tpu.memory_space<vmem>>
        tpu.wait_dma2 semaphore(%arg6 : memref<!tpu.dma_semaphore, #tpu.memory_space<semaphore_mem>>) src(%dma_wait3A_1016 : memref<8x2048xf32, #tpu.memory_space<vmem>>) dst(%dma_wait3A_1012 : memref<8x2048xf32, #tpu.memory_space<hbm>>)
        %dma_wait3A_1017 = arith.constant 0 : i32
        %dma_wait3A_1018 = arith.constant 0 : i32
        %dma_wait3A_1019 = arith.constant 0 : i32
        %dma_wait3A_1020 = arith.constant 0 : i32
        %dma_wait3A_1021 = tpu.memref_slice %arg5[%dma_wait3A_1017, %dma_wait3A_1019, %dma_wait3A_1020] : memref<2x8x3968xf32, #tpu.memory_space<vmem>> -> memref<1x8x2048xf32, #tpu.memory_space<vmem>>
        %dma_wait3A_1022 = tpu.memref_squeeze %dma_wait3A_1021 : memref<1x8x2048xf32, #tpu.memory_space<vmem>> -> memref<8x2048xf32, #tpu.memory_space<vmem>>
        %dma_wait3A_1023 = arith.constant 0 : i32
        %dma_wait3A_1024 = arith.constant 0 : i32
        %dma_wait3A_1025 = tpu.memref_slice %arg3[%dma_wait3A_1018, %dma_wait3A_1023, %dma_wait3A_1024] : memref<16x2048x2048xf32, #tpu.memory_space<hbm>> -> memref<1x8x2048xf32, #tpu.memory_space<hbm>>
        %dma_wait3A_1026 = tpu.memref_squeeze %dma_wait3A_1025 : memref<1x8x2048xf32, #tpu.memory_space<hbm>> -> memref<8x2048xf32, #tpu.memory_space<hbm>>
        %dma_wait3A_1027 = arith.constant 0 : i32
        %dma_wait3A_1028 = arith.constant 0 : i32
        %dma_wait3A_1029 = tpu.memref_slice %arg3[%dma_wait3A_1018, %dma_wait3A_1027, %dma_wait3A_1028] : memref<16x2048x2048xf32, #tpu.memory_space<hbm>> -> memref<1x8x2048xf32, #tpu.memory_space<hbm>>
        %dma_wait3A_1030 = tpu.memref_squeeze %dma_wait3A_1029 : memref<1x8x2048xf32, #tpu.memory_space<hbm>> -> memref<8x2048xf32, #tpu.memory_space<hbm>>
        %dma_wait3A_1031 = arith.constant 0 : i32
        %dma_wait3A_1032 = arith.constant 0 : i32
        %dma_wait3A_1033 = tpu.memref_slice %arg5[%dma_wait3A_1017, %dma_wait3A_1031, %dma_wait3A_1032] : memref<2x8x3968xf32, #tpu.memory_space<vmem>> -> memref<1x8x2048xf32, #tpu.memory_space<vmem>>
        %dma_wait3A_1034 = tpu.memref_squeeze %dma_wait3A_1033 : memref<1x8x2048xf32, #tpu.memory_space<vmem>> -> memref<8x2048xf32, #tpu.memory_space<vmem>>
        tpu.wait_dma2 semaphore(%arg6 : memref<!tpu.dma_semaphore, #tpu.memory_space<semaphore_mem>>) src(%dma_wait3A_1034 : memref<8x2048xf32, #tpu.memory_space<vmem>>) dst(%dma_wait3A_1030 : memref<8x2048xf32, #tpu.memory_space<hbm>>)
        %dma_wait3A_1035 = arith.constant 0 : i32
        %dma_wait3A_1036 = arith.constant 0 : i32
        %dma_wait3A_1037 = arith.constant 0 : i32
        %dma_wait3A_1038 = arith.constant 0 : i32
        %dma_wait3A_1039 = tpu.memref_slice %arg5[%dma_wait3A_1035, %dma_wait3A_1037, %dma_wait3A_1038] : memref<2x8x3968xf32, #tpu.memory_space<vmem>> -> memref<1x8x2048xf32, #tpu.memory_space<vmem>>
        %dma_wait3A_1040 = tpu.memref_squeeze %dma_wait3A_1039 : memref<1x8x2048xf32, #tpu.memory_space<vmem>> -> memref<8x2048xf32, #tpu.memory_space<vmem>>
        %dma_wait3A_1041 = arith.constant 0 : i32
        %dma_wait3A_1042 = arith.constant 0 : i32
        %dma_wait3A_1043 = tpu.memref_slice %arg3[%dma_wait3A_1036, %dma_wait3A_1041, %dma_wait3A_1042] : memref<16x2048x2048xf32, #tpu.memory_space<hbm>> -> memref<1x8x2048xf32, #tpu.memory_space<hbm>>
        %dma_wait3A_1044 = tpu.memref_squeeze %dma_wait3A_1043 : memref<1x8x2048xf32, #tpu.memory_space<hbm>> -> memref<8x2048xf32, #tpu.memory_space<hbm>>
        %dma_wait3A_1045 = arith.constant 0 : i32
        %dma_wait3A_1046 = arith.constant 0 : i32
        %dma_wait3A_1047 = tpu.memref_slice %arg3[%dma_wait3A_1036, %dma_wait3A_1045, %dma_wait3A_1046] : memref<16x2048x2048xf32, #tpu.memory_space<hbm>> -> memref<1x8x2048xf32, #tpu.memory_space<hbm>>
        %dma_wait3A_1048 = tpu.memref_squeeze %dma_wait3A_1047 : memref<1x8x2048xf32, #tpu.memory_space<hbm>> -> memref<8x2048xf32, #tpu.memory_space<hbm>>
        %dma_wait3A_1049 = arith.constant 0 : i32
        %dma_wait3A_1050 = arith.constant 0 : i32
        %dma_wait3A_1051 = tpu.memref_slice %arg5[%dma_wait3A_1035, %dma_wait3A_1049, %dma_wait3A_1050] : memref<2x8x3968xf32, #tpu.memory_space<vmem>> -> memref<1x8x2048xf32, #tpu.memory_space<vmem>>
        %dma_wait3A_1052 = tpu.memref_squeeze %dma_wait3A_1051 : memref<1x8x2048xf32, #tpu.memory_space<vmem>> -> memref<8x2048xf32, #tpu.memory_space<vmem>>
        tpu.wait_dma2 semaphore(%arg6 : memref<!tpu.dma_semaphore, #tpu.memory_space<semaphore_mem>>) src(%dma_wait3A_1052 : memref<8x2048xf32, #tpu.memory_space<vmem>>) dst(%dma_wait3A_1048 : memref<8x2048xf32, #tpu.memory_space<hbm>>)
        %dma_wait3A_1053 = arith.constant 0 : i32
        %dma_wait3A_1054 = arith.constant 0 : i32
        %dma_wait3A_1055 = arith.constant 0 : i32
        %dma_wait3A_1056 = arith.constant 0 : i32
        %dma_wait3A_1057 = tpu.memref_slice %arg5[%dma_wait3A_1053, %dma_wait3A_1055, %dma_wait3A_1056] : memref<2x8x3968xf32, #tpu.memory_space<vmem>> -> memref<1x8x2048xf32, #tpu.memory_space<vmem>>
        %dma_wait3A_1058 = tpu.memref_squeeze %dma_wait3A_1057 : memref<1x8x2048xf32, #tpu.memory_space<vmem>> -> memref<8x2048xf32, #tpu.memory_space<vmem>>
        %dma_wait3A_1059 = arith.constant 0 : i32
        %dma_wait3A_1060 = arith.constant 0 : i32
        %dma_wait3A_1061 = tpu.memref_slice %arg3[%dma_wait3A_1054, %dma_wait3A_1059, %dma_wait3A_1060] : memref<16x2048x2048xf32, #tpu.memory_space<hbm>> -> memref<1x8x2048xf32, #tpu.memory_space<hbm>>
        %dma_wait3A_1062 = tpu.memref_squeeze %dma_wait3A_1061 : memref<1x8x2048xf32, #tpu.memory_space<hbm>> -> memref<8x2048xf32, #tpu.memory_space<hbm>>
        %dma_wait3A_1063 = arith.constant 0 : i32
        %dma_wait3A_1064 = arith.constant 0 : i32
        %dma_wait3A_1065 = tpu.memref_slice %arg3[%dma_wait3A_1054, %dma_wait3A_1063, %dma_wait3A_1064] : memref<16x2048x2048xf32, #tpu.memory_space<hbm>> -> memref<1x8x2048xf32, #tpu.memory_space<hbm>>
        %dma_wait3A_1066 = tpu.memref_squeeze %dma_wait3A_1065 : memref<1x8x2048xf32, #tpu.memory_space<hbm>> -> memref<8x2048xf32, #tpu.memory_space<hbm>>
        %dma_wait3A_1067 = arith.constant 0 : i32
        %dma_wait3A_1068 = arith.constant 0 : i32
        %dma_wait3A_1069 = tpu.memref_slice %arg5[%dma_wait3A_1053, %dma_wait3A_1067, %dma_wait3A_1068] : memref<2x8x3968xf32, #tpu.memory_space<vmem>> -> memref<1x8x2048xf32, #tpu.memory_space<vmem>>
        %dma_wait3A_1070 = tpu.memref_squeeze %dma_wait3A_1069 : memref<1x8x2048xf32, #tpu.memory_space<vmem>> -> memref<8x2048xf32, #tpu.memory_space<vmem>>
        tpu.wait_dma2 semaphore(%arg6 : memref<!tpu.dma_semaphore, #tpu.memory_space<semaphore_mem>>) src(%dma_wait3A_1070 : memref<8x2048xf32, #tpu.memory_space<vmem>>) dst(%dma_wait3A_1066 : memref<8x2048xf32, #tpu.memory_space<hbm>>)
        %dma_wait3A_1071 = arith.constant 0 : i32
        %dma_wait3A_1072 = arith.constant 0 : i32
        %dma_wait3A_1073 = arith.constant 0 : i32
        %dma_wait3A_1074 = arith.constant 0 : i32
        %dma_wait3A_1075 = tpu.memref_slice %arg5[%dma_wait3A_1071, %dma_wait3A_1073, %dma_wait3A_1074] : memref<2x8x3968xf32, #tpu.memory_space<vmem>> -> memref<1x8x2048xf32, #tpu.memory_space<vmem>>
        %dma_wait3A_1076 = tpu.memref_squeeze %dma_wait3A_1075 : memref<1x8x2048xf32, #tpu.memory_space<vmem>> -> memref<8x2048xf32, #tpu.memory_space<vmem>>
        %dma_wait3A_1077 = arith.constant 0 : i32
        %dma_wait3A_1078 = arith.constant 0 : i32
        %dma_wait3A_1079 = tpu.memref_slice %arg3[%dma_wait3A_1072, %dma_wait3A_1077, %dma_wait3A_1078] : memref<16x2048x2048xf32, #tpu.memory_space<hbm>> -> memref<1x8x2048xf32, #tpu.memory_space<hbm>>
        %dma_wait3A_1080 = tpu.memref_squeeze %dma_wait3A_1079 : memref<1x8x2048xf32, #tpu.memory_space<hbm>> -> memref<8x2048xf32, #tpu.memory_space<hbm>>
        %dma_wait3A_1081 = arith.constant 0 : i32
        %dma_wait3A_1082 = arith.constant 0 : i32
        %dma_wait3A_1083 = tpu.memref_slice %arg3[%dma_wait3A_1072, %dma_wait3A_1081, %dma_wait3A_1082] : memref<16x2048x2048xf32, #tpu.memory_space<hbm>> -> memref<1x8x2048xf32, #tpu.memory_space<hbm>>
        %dma_wait3A_1084 = tpu.memref_squeeze %dma_wait3A_1083 : memref<1x8x2048xf32, #tpu.memory_space<hbm>> -> memref<8x2048xf32, #tpu.memory_space<hbm>>
        %dma_wait3A_1085 = arith.constant 0 : i32
        %dma_wait3A_1086 = arith.constant 0 : i32
        %dma_wait3A_1087 = tpu.memref_slice %arg5[%dma_wait3A_1071, %dma_wait3A_1085, %dma_wait3A_1086] : memref<2x8x3968xf32, #tpu.memory_space<vmem>> -> memref<1x8x2048xf32, #tpu.memory_space<vmem>>
        %dma_wait3A_1088 = tpu.memref_squeeze %dma_wait3A_1087 : memref<1x8x2048xf32, #tpu.memory_space<vmem>> -> memref<8x2048xf32, #tpu.memory_space<vmem>>
        tpu.wait_dma2 semaphore(%arg6 : memref<!tpu.dma_semaphore, #tpu.memory_space<semaphore_mem>>) src(%dma_wait3A_1088 : memref<8x2048xf32, #tpu.memory_space<vmem>>) dst(%dma_wait3A_1084 : memref<8x2048xf32, #tpu.memory_space<hbm>>)
        %dma_wait3A_1089 = arith.constant 0 : i32
        %dma_wait3A_1090 = arith.constant 0 : i32
        %dma_wait3A_1091 = arith.constant 0 : i32
        %dma_wait3A_1092 = arith.constant 0 : i32
        %dma_wait3A_1093 = tpu.memref_slice %arg5[%dma_wait3A_1089, %dma_wait3A_1091, %dma_wait3A_1092] : memref<2x8x3968xf32, #tpu.memory_space<vmem>> -> memref<1x8x2048xf32, #tpu.memory_space<vmem>>
        %dma_wait3A_1094 = tpu.memref_squeeze %dma_wait3A_1093 : memref<1x8x2048xf32, #tpu.memory_space<vmem>> -> memref<8x2048xf32, #tpu.memory_space<vmem>>
        %dma_wait3A_1095 = arith.constant 0 : i32
        %dma_wait3A_1096 = arith.constant 0 : i32
        %dma_wait3A_1097 = tpu.memref_slice %arg3[%dma_wait3A_1090, %dma_wait3A_1095, %dma_wait3A_1096] : memref<16x2048x2048xf32, #tpu.memory_space<hbm>> -> memref<1x8x2048xf32, #tpu.memory_space<hbm>>
        %dma_wait3A_1098 = tpu.memref_squeeze %dma_wait3A_1097 : memref<1x8x2048xf32, #tpu.memory_space<hbm>> -> memref<8x2048xf32, #tpu.memory_space<hbm>>
        %dma_wait3A_1099 = arith.constant 0 : i32
        %dma_wait3A_1100 = arith.constant 0 : i32
        %dma_wait3A_1101 = tpu.memref_slice %arg3[%dma_wait3A_1090, %dma_wait3A_1099, %dma_wait3A_1100] : memref<16x2048x2048xf32, #tpu.memory_space<hbm>> -> memref<1x8x2048xf32, #tpu.memory_space<hbm>>
        %dma_wait3A_1102 = tpu.memref_squeeze %dma_wait3A_1101 : memref<1x8x2048xf32, #tpu.memory_space<hbm>> -> memref<8x2048xf32, #tpu.memory_space<hbm>>
        %dma_wait3A_1103 = arith.constant 0 : i32
        %dma_wait3A_1104 = arith.constant 0 : i32
        %dma_wait3A_1105 = tpu.memref_slice %arg5[%dma_wait3A_1089, %dma_wait3A_1103, %dma_wait3A_1104] : memref<2x8x3968xf32, #tpu.memory_space<vmem>> -> memref<1x8x2048xf32, #tpu.memory_space<vmem>>
        %dma_wait3A_1106 = tpu.memref_squeeze %dma_wait3A_1105 : memref<1x8x2048xf32, #tpu.memory_space<vmem>> -> memref<8x2048xf32, #tpu.memory_space<vmem>>
        tpu.wait_dma2 semaphore(%arg6 : memref<!tpu.dma_semaphore, #tpu.memory_space<semaphore_mem>>) src(%dma_wait3A_1106 : memref<8x2048xf32, #tpu.memory_space<vmem>>) dst(%dma_wait3A_1102 : memref<8x2048xf32, #tpu.memory_space<hbm>>)
        %dma_wait3A_1107 = arith.constant 0 : i32
        %dma_wait3A_1108 = arith.constant 0 : i32
        %dma_wait3A_1109 = arith.constant 0 : i32
        %dma_wait3A_1110 = arith.constant 0 : i32
        %dma_wait3A_1111 = tpu.memref_slice %arg5[%dma_wait3A_1107, %dma_wait3A_1109, %dma_wait3A_1110] : memref<2x8x3968xf32, #tpu.memory_space<vmem>> -> memref<1x8x2048xf32, #tpu.memory_space<vmem>>
        %dma_wait3A_1112 = tpu.memref_squeeze %dma_wait3A_1111 : memref<1x8x2048xf32, #tpu.memory_space<vmem>> -> memref<8x2048xf32, #tpu.memory_space<vmem>>
        %dma_wait3A_1113 = arith.constant 0 : i32
        %dma_wait3A_1114 = arith.constant 0 : i32
        %dma_wait3A_1115 = tpu.memref_slice %arg3[%dma_wait3A_1108, %dma_wait3A_1113, %dma_wait3A_1114] : memref<16x2048x2048xf32, #tpu.memory_space<hbm>> -> memref<1x8x2048xf32, #tpu.memory_space<hbm>>
        %dma_wait3A_1116 = tpu.memref_squeeze %dma_wait3A_1115 : memref<1x8x2048xf32, #tpu.memory_space<hbm>> -> memref<8x2048xf32, #tpu.memory_space<hbm>>
        %dma_wait3A_1117 = arith.constant 0 : i32
        %dma_wait3A_1118 = arith.constant 0 : i32
        %dma_wait3A_1119 = tpu.memref_slice %arg3[%dma_wait3A_1108, %dma_wait3A_1117, %dma_wait3A_1118] : memref<16x2048x2048xf32, #tpu.memory_space<hbm>> -> memref<1x8x2048xf32, #tpu.memory_space<hbm>>
        %dma_wait3A_1120 = tpu.memref_squeeze %dma_wait3A_1119 : memref<1x8x2048xf32, #tpu.memory_space<hbm>> -> memref<8x2048xf32, #tpu.memory_space<hbm>>
        %dma_wait3A_1121 = arith.constant 0 : i32
        %dma_wait3A_1122 = arith.constant 0 : i32
        %dma_wait3A_1123 = tpu.memref_slice %arg5[%dma_wait3A_1107, %dma_wait3A_1121, %dma_wait3A_1122] : memref<2x8x3968xf32, #tpu.memory_space<vmem>> -> memref<1x8x2048xf32, #tpu.memory_space<vmem>>
        %dma_wait3A_1124 = tpu.memref_squeeze %dma_wait3A_1123 : memref<1x8x2048xf32, #tpu.memory_space<vmem>> -> memref<8x2048xf32, #tpu.memory_space<vmem>>
        tpu.wait_dma2 semaphore(%arg6 : memref<!tpu.dma_semaphore, #tpu.memory_space<semaphore_mem>>) src(%dma_wait3A_1124 : memref<8x2048xf32, #tpu.memory_space<vmem>>) dst(%dma_wait3A_1120 : memref<8x2048xf32, #tpu.memory_space<hbm>>)
        %dma_wait3A_1125 = arith.constant 0 : i32
        %dma_wait3A_1126 = arith.constant 0 : i32
        %dma_wait3A_1127 = arith.constant 0 : i32
        %dma_wait3A_1128 = arith.constant 0 : i32
        %dma_wait3A_1129 = tpu.memref_slice %arg5[%dma_wait3A_1125, %dma_wait3A_1127, %dma_wait3A_1128] : memref<2x8x3968xf32, #tpu.memory_space<vmem>> -> memref<1x8x2048xf32, #tpu.memory_space<vmem>>
        %dma_wait3A_1130 = tpu.memref_squeeze %dma_wait3A_1129 : memref<1x8x2048xf32, #tpu.memory_space<vmem>> -> memref<8x2048xf32, #tpu.memory_space<vmem>>
        %dma_wait3A_1131 = arith.constant 0 : i32
        %dma_wait3A_1132 = arith.constant 0 : i32
        %dma_wait3A_1133 = tpu.memref_slice %arg3[%dma_wait3A_1126, %dma_wait3A_1131, %dma_wait3A_1132] : memref<16x2048x2048xf32, #tpu.memory_space<hbm>> -> memref<1x8x2048xf32, #tpu.memory_space<hbm>>
        %dma_wait3A_1134 = tpu.memref_squeeze %dma_wait3A_1133 : memref<1x8x2048xf32, #tpu.memory_space<hbm>> -> memref<8x2048xf32, #tpu.memory_space<hbm>>
        %dma_wait3A_1135 = arith.constant 0 : i32
        %dma_wait3A_1136 = arith.constant 0 : i32
        %dma_wait3A_1137 = tpu.memref_slice %arg3[%dma_wait3A_1126, %dma_wait3A_1135, %dma_wait3A_1136] : memref<16x2048x2048xf32, #tpu.memory_space<hbm>> -> memref<1x8x2048xf32, #tpu.memory_space<hbm>>
        %dma_wait3A_1138 = tpu.memref_squeeze %dma_wait3A_1137 : memref<1x8x2048xf32, #tpu.memory_space<hbm>> -> memref<8x2048xf32, #tpu.memory_space<hbm>>
        %dma_wait3A_1139 = arith.constant 0 : i32
        %dma_wait3A_1140 = arith.constant 0 : i32
        %dma_wait3A_1141 = tpu.memref_slice %arg5[%dma_wait3A_1125, %dma_wait3A_1139, %dma_wait3A_1140] : memref<2x8x3968xf32, #tpu.memory_space<vmem>> -> memref<1x8x2048xf32, #tpu.memory_space<vmem>>
        %dma_wait3A_1142 = tpu.memref_squeeze %dma_wait3A_1141 : memref<1x8x2048xf32, #tpu.memory_space<vmem>> -> memref<8x2048xf32, #tpu.memory_space<vmem>>
        tpu.wait_dma2 semaphore(%arg6 : memref<!tpu.dma_semaphore, #tpu.memory_space<semaphore_mem>>) src(%dma_wait3A_1142 : memref<8x2048xf32, #tpu.memory_space<vmem>>) dst(%dma_wait3A_1138 : memref<8x2048xf32, #tpu.memory_space<hbm>>)
        %dma_wait3A_1143 = arith.constant 0 : i32
        %dma_wait3A_1144 = arith.constant 0 : i32
        %dma_wait3A_1145 = arith.constant 0 : i32
        %dma_wait3A_1146 = arith.constant 0 : i32
        %dma_wait3A_1147 = tpu.memref_slice %arg5[%dma_wait3A_1143, %dma_wait3A_1145, %dma_wait3A_1146] : memref<2x8x3968xf32, #tpu.memory_space<vmem>> -> memref<1x8x2048xf32, #tpu.memory_space<vmem>>
        %dma_wait3A_1148 = tpu.memref_squeeze %dma_wait3A_1147 : memref<1x8x2048xf32, #tpu.memory_space<vmem>> -> memref<8x2048xf32, #tpu.memory_space<vmem>>
        %dma_wait3A_1149 = arith.constant 0 : i32
        %dma_wait3A_1150 = arith.constant 0 : i32
        %dma_wait3A_1151 = tpu.memref_slice %arg3[%dma_wait3A_1144, %dma_wait3A_1149, %dma_wait3A_1150] : memref<16x2048x2048xf32, #tpu.memory_space<hbm>> -> memref<1x8x2048xf32, #tpu.memory_space<hbm>>
        %dma_wait3A_1152 = tpu.memref_squeeze %dma_wait3A_1151 : memref<1x8x2048xf32, #tpu.memory_space<hbm>> -> memref<8x2048xf32, #tpu.memory_space<hbm>>
        %dma_wait3A_1153 = arith.constant 0 : i32
        %dma_wait3A_1154 = arith.constant 0 : i32
        %dma_wait3A_1155 = tpu.memref_slice %arg3[%dma_wait3A_1144, %dma_wait3A_1153, %dma_wait3A_1154] : memref<16x2048x2048xf32, #tpu.memory_space<hbm>> -> memref<1x8x2048xf32, #tpu.memory_space<hbm>>
        %dma_wait3A_1156 = tpu.memref_squeeze %dma_wait3A_1155 : memref<1x8x2048xf32, #tpu.memory_space<hbm>> -> memref<8x2048xf32, #tpu.memory_space<hbm>>
        %dma_wait3A_1157 = arith.constant 0 : i32
        %dma_wait3A_1158 = arith.constant 0 : i32
        %dma_wait3A_1159 = tpu.memref_slice %arg5[%dma_wait3A_1143, %dma_wait3A_1157, %dma_wait3A_1158] : memref<2x8x3968xf32, #tpu.memory_space<vmem>> -> memref<1x8x2048xf32, #tpu.memory_space<vmem>>
        %dma_wait3A_1160 = tpu.memref_squeeze %dma_wait3A_1159 : memref<1x8x2048xf32, #tpu.memory_space<vmem>> -> memref<8x2048xf32, #tpu.memory_space<vmem>>
        tpu.wait_dma2 semaphore(%arg6 : memref<!tpu.dma_semaphore, #tpu.memory_space<semaphore_mem>>) src(%dma_wait3A_1160 : memref<8x2048xf32, #tpu.memory_space<vmem>>) dst(%dma_wait3A_1156 : memref<8x2048xf32, #tpu.memory_space<hbm>>)
        %dma_wait3A_1161 = arith.constant 0 : i32
        %dma_wait3A_1162 = arith.constant 0 : i32
        %dma_wait3A_1163 = arith.constant 0 : i32
        %dma_wait3A_1164 = arith.constant 0 : i32
        %dma_wait3A_1165 = tpu.memref_slice %arg5[%dma_wait3A_1161, %dma_wait3A_1163, %dma_wait3A_1164] : memref<2x8x3968xf32, #tpu.memory_space<vmem>> -> memref<1x8x2048xf32, #tpu.memory_space<vmem>>
        %dma_wait3A_1166 = tpu.memref_squeeze %dma_wait3A_1165 : memref<1x8x2048xf32, #tpu.memory_space<vmem>> -> memref<8x2048xf32, #tpu.memory_space<vmem>>
        %dma_wait3A_1167 = arith.constant 0 : i32
        %dma_wait3A_1168 = arith.constant 0 : i32
        %dma_wait3A_1169 = tpu.memref_slice %arg3[%dma_wait3A_1162, %dma_wait3A_1167, %dma_wait3A_1168] : memref<16x2048x2048xf32, #tpu.memory_space<hbm>> -> memref<1x8x2048xf32, #tpu.memory_space<hbm>>
        %dma_wait3A_1170 = tpu.memref_squeeze %dma_wait3A_1169 : memref<1x8x2048xf32, #tpu.memory_space<hbm>> -> memref<8x2048xf32, #tpu.memory_space<hbm>>
        %dma_wait3A_1171 = arith.constant 0 : i32
        %dma_wait3A_1172 = arith.constant 0 : i32
        %dma_wait3A_1173 = tpu.memref_slice %arg3[%dma_wait3A_1162, %dma_wait3A_1171, %dma_wait3A_1172] : memref<16x2048x2048xf32, #tpu.memory_space<hbm>> -> memref<1x8x2048xf32, #tpu.memory_space<hbm>>
        %dma_wait3A_1174 = tpu.memref_squeeze %dma_wait3A_1173 : memref<1x8x2048xf32, #tpu.memory_space<hbm>> -> memref<8x2048xf32, #tpu.memory_space<hbm>>
        %dma_wait3A_1175 = arith.constant 0 : i32
        %dma_wait3A_1176 = arith.constant 0 : i32
        %dma_wait3A_1177 = tpu.memref_slice %arg5[%dma_wait3A_1161, %dma_wait3A_1175, %dma_wait3A_1176] : memref<2x8x3968xf32, #tpu.memory_space<vmem>> -> memref<1x8x2048xf32, #tpu.memory_space<vmem>>
        %dma_wait3A_1178 = tpu.memref_squeeze %dma_wait3A_1177 : memref<1x8x2048xf32, #tpu.memory_space<vmem>> -> memref<8x2048xf32, #tpu.memory_space<vmem>>
        tpu.wait_dma2 semaphore(%arg6 : memref<!tpu.dma_semaphore, #tpu.memory_space<semaphore_mem>>) src(%dma_wait3A_1178 : memref<8x2048xf32, #tpu.memory_space<vmem>>) dst(%dma_wait3A_1174 : memref<8x2048xf32, #tpu.memory_space<hbm>>)
        %dma_wait3A_1179 = arith.constant 0 : i32
        %dma_wait3A_1180 = arith.constant 0 : i32
        %dma_wait3A_1181 = arith.constant 0 : i32
        %dma_wait3A_1182 = arith.constant 0 : i32
        %dma_wait3A_1183 = tpu.memref_slice %arg5[%dma_wait3A_1179, %dma_wait3A_1181, %dma_wait3A_1182] : memref<2x8x3968xf32, #tpu.memory_space<vmem>> -> memref<1x8x2048xf32, #tpu.memory_space<vmem>>
        %dma_wait3A_1184 = tpu.memref_squeeze %dma_wait3A_1183 : memref<1x8x2048xf32, #tpu.memory_space<vmem>> -> memref<8x2048xf32, #tpu.memory_space<vmem>>
        %dma_wait3A_1185 = arith.constant 0 : i32
        %dma_wait3A_1186 = arith.constant 0 : i32
        %dma_wait3A_1187 = tpu.memref_slice %arg3[%dma_wait3A_1180, %dma_wait3A_1185, %dma_wait3A_1186] : memref<16x2048x2048xf32, #tpu.memory_space<hbm>> -> memref<1x8x2048xf32, #tpu.memory_space<hbm>>
        %dma_wait3A_1188 = tpu.memref_squeeze %dma_wait3A_1187 : memref<1x8x2048xf32, #tpu.memory_space<hbm>> -> memref<8x2048xf32, #tpu.memory_space<hbm>>
        %dma_wait3A_1189 = arith.constant 0 : i32
        %dma_wait3A_1190 = arith.constant 0 : i32
        %dma_wait3A_1191 = tpu.memref_slice %arg3[%dma_wait3A_1180, %dma_wait3A_1189, %dma_wait3A_1190] : memref<16x2048x2048xf32, #tpu.memory_space<hbm>> -> memref<1x8x2048xf32, #tpu.memory_space<hbm>>
        %dma_wait3A_1192 = tpu.memref_squeeze %dma_wait3A_1191 : memref<1x8x2048xf32, #tpu.memory_space<hbm>> -> memref<8x2048xf32, #tpu.memory_space<hbm>>
        %dma_wait3A_1193 = arith.constant 0 : i32
        %dma_wait3A_1194 = arith.constant 0 : i32
        %dma_wait3A_1195 = tpu.memref_slice %arg5[%dma_wait3A_1179, %dma_wait3A_1193, %dma_wait3A_1194] : memref<2x8x3968xf32, #tpu.memory_space<vmem>> -> memref<1x8x2048xf32, #tpu.memory_space<vmem>>
        %dma_wait3A_1196 = tpu.memref_squeeze %dma_wait3A_1195 : memref<1x8x2048xf32, #tpu.memory_space<vmem>> -> memref<8x2048xf32, #tpu.memory_space<vmem>>
        tpu.wait_dma2 semaphore(%arg6 : memref<!tpu.dma_semaphore, #tpu.memory_space<semaphore_mem>>) src(%dma_wait3A_1196 : memref<8x2048xf32, #tpu.memory_space<vmem>>) dst(%dma_wait3A_1192 : memref<8x2048xf32, #tpu.memory_space<hbm>>)
        %dma_wait3A_1197 = arith.constant 0 : i32
        %dma_wait3A_1198 = arith.constant 0 : i32
        %dma_wait3A_1199 = arith.constant 0 : i32
        %dma_wait3A_1200 = arith.constant 0 : i32
        %dma_wait3A_1201 = tpu.memref_slice %arg5[%dma_wait3A_1197, %dma_wait3A_1199, %dma_wait3A_1200] : memref<2x8x3968xf32, #tpu.memory_space<vmem>> -> memref<1x8x2048xf32, #tpu.memory_space<vmem>>
        %dma_wait3A_1202 = tpu.memref_squeeze %dma_wait3A_1201 : memref<1x8x2048xf32, #tpu.memory_space<vmem>> -> memref<8x2048xf32, #tpu.memory_space<vmem>>
        %dma_wait3A_1203 = arith.constant 0 : i32
        %dma_wait3A_1204 = arith.constant 0 : i32
        %dma_wait3A_1205 = tpu.memref_slice %arg3[%dma_wait3A_1198, %dma_wait3A_1203, %dma_wait3A_1204] : memref<16x2048x2048xf32, #tpu.memory_space<hbm>> -> memref<1x8x2048xf32, #tpu.memory_space<hbm>>
        %dma_wait3A_1206 = tpu.memref_squeeze %dma_wait3A_1205 : memref<1x8x2048xf32, #tpu.memory_space<hbm>> -> memref<8x2048xf32, #tpu.memory_space<hbm>>
        %dma_wait3A_1207 = arith.constant 0 : i32
        %dma_wait3A_1208 = arith.constant 0 : i32
        %dma_wait3A_1209 = tpu.memref_slice %arg3[%dma_wait3A_1198, %dma_wait3A_1207, %dma_wait3A_1208] : memref<16x2048x2048xf32, #tpu.memory_space<hbm>> -> memref<1x8x2048xf32, #tpu.memory_space<hbm>>
        %dma_wait3A_1210 = tpu.memref_squeeze %dma_wait3A_1209 : memref<1x8x2048xf32, #tpu.memory_space<hbm>> -> memref<8x2048xf32, #tpu.memory_space<hbm>>
        %dma_wait3A_1211 = arith.constant 0 : i32
        %dma_wait3A_1212 = arith.constant 0 : i32
        %dma_wait3A_1213 = tpu.memref_slice %arg5[%dma_wait3A_1197, %dma_wait3A_1211, %dma_wait3A_1212] : memref<2x8x3968xf32, #tpu.memory_space<vmem>> -> memref<1x8x2048xf32, #tpu.memory_space<vmem>>
        %dma_wait3A_1214 = tpu.memref_squeeze %dma_wait3A_1213 : memref<1x8x2048xf32, #tpu.memory_space<vmem>> -> memref<8x2048xf32, #tpu.memory_space<vmem>>
        tpu.wait_dma2 semaphore(%arg6 : memref<!tpu.dma_semaphore, #tpu.memory_space<semaphore_mem>>) src(%dma_wait3A_1214 : memref<8x2048xf32, #tpu.memory_space<vmem>>) dst(%dma_wait3A_1210 : memref<8x2048xf32, #tpu.memory_space<hbm>>)
        %dma_wait3A_1215 = arith.constant 0 : i32
        %dma_wait3A_1216 = arith.constant 0 : i32
        %dma_wait3A_1217 = arith.constant 0 : i32
        %dma_wait3A_1218 = arith.constant 0 : i32
        %dma_wait3A_1219 = tpu.memref_slice %arg5[%dma_wait3A_1215, %dma_wait3A_1217, %dma_wait3A_1218] : memref<2x8x3968xf32, #tpu.memory_space<vmem>> -> memref<1x8x2048xf32, #tpu.memory_space<vmem>>
        %dma_wait3A_1220 = tpu.memref_squeeze %dma_wait3A_1219 : memref<1x8x2048xf32, #tpu.memory_space<vmem>> -> memref<8x2048xf32, #tpu.memory_space<vmem>>
        %dma_wait3A_1221 = arith.constant 0 : i32
        %dma_wait3A_1222 = arith.constant 0 : i32
        %dma_wait3A_1223 = tpu.memref_slice %arg3[%dma_wait3A_1216, %dma_wait3A_1221, %dma_wait3A_1222] : memref<16x2048x2048xf32, #tpu.memory_space<hbm>> -> memref<1x8x2048xf32, #tpu.memory_space<hbm>>
        %dma_wait3A_1224 = tpu.memref_squeeze %dma_wait3A_1223 : memref<1x8x2048xf32, #tpu.memory_space<hbm>> -> memref<8x2048xf32, #tpu.memory_space<hbm>>
        %dma_wait3A_1225 = arith.constant 0 : i32
        %dma_wait3A_1226 = arith.constant 0 : i32
        %dma_wait3A_1227 = tpu.memref_slice %arg3[%dma_wait3A_1216, %dma_wait3A_1225, %dma_wait3A_1226] : memref<16x2048x2048xf32, #tpu.memory_space<hbm>> -> memref<1x8x2048xf32, #tpu.memory_space<hbm>>
        %dma_wait3A_1228 = tpu.memref_squeeze %dma_wait3A_1227 : memref<1x8x2048xf32, #tpu.memory_space<hbm>> -> memref<8x2048xf32, #tpu.memory_space<hbm>>
        %dma_wait3A_1229 = arith.constant 0 : i32
        %dma_wait3A_1230 = arith.constant 0 : i32
        %dma_wait3A_1231 = tpu.memref_slice %arg5[%dma_wait3A_1215, %dma_wait3A_1229, %dma_wait3A_1230] : memref<2x8x3968xf32, #tpu.memory_space<vmem>> -> memref<1x8x2048xf32, #tpu.memory_space<vmem>>
        %dma_wait3A_1232 = tpu.memref_squeeze %dma_wait3A_1231 : memref<1x8x2048xf32, #tpu.memory_space<vmem>> -> memref<8x2048xf32, #tpu.memory_space<vmem>>
        tpu.wait_dma2 semaphore(%arg6 : memref<!tpu.dma_semaphore, #tpu.memory_space<semaphore_mem>>) src(%dma_wait3A_1232 : memref<8x2048xf32, #tpu.memory_space<vmem>>) dst(%dma_wait3A_1228 : memref<8x2048xf32, #tpu.memory_space<hbm>>)
      } else {
      }
      %scan3A_637 = arith.constant 0 : i32
      %scan3A_638 = arith.constant 0 : i32
      %scan3A_639 = arith.constant 248 : i32
      %scan3A_640 = arith.addi %scan3A_638, %scan3A_639 : i32
      %scan3A_641 = arith.constant 2 : i32
      scf.for %scan3A_945 = %scan3A_638 to %scan3A_640 step %scan3A_641  : i32 {
        %mul3A_946 = arith.constant 16 : i32
        %mul3A_947 = arith.muli %scan3A_945, %mul3A_946 : i32
        %add3A_948 = arith.addi %mul3A_947, %sub3A_634 : i32
        %add3A_949 = arith.constant 7 : i32
        %add3A_950 = arith.addi %add3A_948, %add3A_949 : i32
        %get3A = arith.index_cast %add3A_950 : i32 to index
        %get3A_951 = tpu.vector_load %arg4[%get3A] {strides = array<i32>} : memref<4096xf32, #tpu.memory_space<vmem>>, vector<16xf32>,
        %swap3A = arith.constant 0 : i32
        %swap3A_952 = arith.index_cast %select_n3A_627 : i32 to index
        %swap3A_953 = arith.index_cast %swap3A : i32 to index
        %swap3A_954 = arith.index_cast %mul3A_947 : i32 to index
        %swap3A_955 = tpu.vector_load %arg5[%swap3A_952, %swap3A_953, %swap3A_954] {strides = array<i32>} : memref<2x8x3968xf32, #tpu.memory_space<vmem>>, vector<16xf32>,
        tpu.vector_store %arg5[%swap3A_952, %swap3A_953, %swap3A_954], %get3A_951 {strides = array<i32>} : memref<2x8x3968xf32, #tpu.memory_space<vmem>>, vector<16xf32>,
        %add3A_956 = arith.addi %mul3A_947, %sub3A_634 : i32
        %add3A_957 = arith.constant 6 : i32
        %add3A_958 = arith.addi %add3A_956, %add3A_957 : i32
        %get3A_959 = arith.index_cast %add3A_958 : i32 to index
        %get3A_960 = tpu.vector_load %arg4[%get3A_959] {strides = array<i32>} : memref<4096xf32, #tpu.memory_space<vmem>>, vector<16xf32>,
        %swap3A_961 = arith.constant 1 : i32
        %swap3A_962 = arith.index_cast %select_n3A_627 : i32 to index
        %swap3A_963 = arith.index_cast %swap3A_961 : i32 to index
        %swap3A_964 = arith.index_cast %mul3A_947 : i32 to index
        %swap3A_965 = tpu.vector_load %arg5[%swap3A_962, %swap3A_963, %swap3A_964] {strides = array<i32>} : memref<2x8x3968xf32, #tpu.memory_space<vmem>>, vector<16xf32>,
        tpu.vector_store %arg5[%swap3A_962, %swap3A_963, %swap3A_964], %get3A_960 {strides = array<i32>} : memref<2x8x3968xf32, #tpu.memory_space<vmem>>, vector<16xf32>,
        %add3A_966 = arith.addi %mul3A_947, %sub3A_634 : i32
        %add3A_967 = arith.constant 5 : i32
        %add3A_968 = arith.addi %add3A_966, %add3A_967 : i32
        %get3A_969 = arith.index_cast %add3A_968 : i32 to index
        %get3A_970 = tpu.vector_load %arg4[%get3A_969] {strides = array<i32>} : memref<4096xf32, #tpu.memory_space<vmem>>, vector<16xf32>,
        %swap3A_971 = arith.constant 2 : i32
        %swap3A_972 = arith.index_cast %select_n3A_627 : i32 to index
        %swap3A_973 = arith.index_cast %swap3A_971 : i32 to index
        %swap3A_974 = arith.index_cast %mul3A_947 : i32 to index
        %swap3A_975 = tpu.vector_load %arg5[%swap3A_972, %swap3A_973, %swap3A_974] {strides = array<i32>} : memref<2x8x3968xf32, #tpu.memory_space<vmem>>, vector<16xf32>,
        tpu.vector_store %arg5[%swap3A_972, %swap3A_973, %swap3A_974], %get3A_970 {strides = array<i32>} : memref<2x8x3968xf32, #tpu.memory_space<vmem>>, vector<16xf32>,
        %add3A_976 = arith.addi %mul3A_947, %sub3A_634 : i32
        %add3A_977 = arith.constant 4 : i32
        %add3A_978 = arith.addi %add3A_976, %add3A_977 : i32
        %get3A_979 = arith.index_cast %add3A_978 : i32 to index
        %get3A_980 = tpu.vector_load %arg4[%get3A_979] {strides = array<i32>} : memref<4096xf32, #tpu.memory_space<vmem>>, vector<16xf32>,
        %swap3A_981 = arith.constant 3 : i32
        %swap3A_982 = arith.index_cast %select_n3A_627 : i32 to index
        %swap3A_983 = arith.index_cast %swap3A_981 : i32 to index
        %swap3A_984 = arith.index_cast %mul3A_947 : i32 to index
        %swap3A_985 = tpu.vector_load %arg5[%swap3A_982, %swap3A_983, %swap3A_984] {strides = array<i32>} : memref<2x8x3968xf32, #tpu.memory_space<vmem>>, vector<16xf32>,
        tpu.vector_store %arg5[%swap3A_982, %swap3A_983, %swap3A_984], %get3A_980 {strides = array<i32>} : memref<2x8x3968xf32, #tpu.memory_space<vmem>>, vector<16xf32>,
        %add3A_986 = arith.addi %mul3A_947, %sub3A_634 : i32
        %add3A_987 = arith.constant 3 : i32
        %add3A_988 = arith.addi %add3A_986, %add3A_987 : i32
        %get3A_989 = arith.index_cast %add3A_988 : i32 to index
        %get3A_990 = tpu.vector_load %arg4[%get3A_989] {strides = array<i32>} : memref<4096xf32, #tpu.memory_space<vmem>>, vector<16xf32>,
        %swap3A_991 = arith.constant 4 : i32
        %swap3A_992 = arith.index_cast %select_n3A_627 : i32 to index
        %swap3A_993 = arith.index_cast %swap3A_991 : i32 to index
        %swap3A_994 = arith.index_cast %mul3A_947 : i32 to index
        %swap3A_995 = tpu.vector_load %arg5[%swap3A_992, %swap3A_993, %swap3A_994] {strides = array<i32>} : memref<2x8x3968xf32, #tpu.memory_space<vmem>>, vector<16xf32>,
        tpu.vector_store %arg5[%swap3A_992, %swap3A_993, %swap3A_994], %get3A_990 {strides = array<i32>} : memref<2x8x3968xf32, #tpu.memory_space<vmem>>, vector<16xf32>,
        %add3A_996 = arith.addi %mul3A_947, %sub3A_634 : i32
        %add3A_997 = arith.constant 2 : i32
        %add3A_998 = arith.addi %add3A_996, %add3A_997 : i32
        %get3A_999 = arith.index_cast %add3A_998 : i32 to index
        %get3A_1000 = tpu.vector_load %arg4[%get3A_999] {strides = array<i32>} : memref<4096xf32, #tpu.memory_space<vmem>>, vector<16xf32>,
        %swap3A_1001 = arith.constant 5 : i32
        %swap3A_1002 = arith.index_cast %select_n3A_627 : i32 to index
        %swap3A_1003 = arith.index_cast %swap3A_1001 : i32 to index
        %swap3A_1004 = arith.index_cast %mul3A_947 : i32 to index
        %swap3A_1005 = tpu.vector_load %arg5[%swap3A_1002, %swap3A_1003, %swap3A_1004] {strides = array<i32>} : memref<2x8x3968xf32, #tpu.memory_space<vmem>>, vector<16xf32>,
        tpu.vector_store %arg5[%swap3A_1002, %swap3A_1003, %swap3A_1004], %get3A_1000 {strides = array<i32>} : memref<2x8x3968xf32, #tpu.memory_space<vmem>>, vector<16xf32>,
        %add3A_1006 = arith.addi %mul3A_947, %sub3A_634 : i32
        %add3A_1007 = arith.constant 1 : i32
        %add3A_1008 = arith.addi %add3A_1006, %add3A_1007 : i32
        %get3A_1009 = arith.index_cast %add3A_1008 : i32 to index
        %get3A_1010 = tpu.vector_load %arg4[%get3A_1009] {strides = array<i32>} : memref<4096xf32, #tpu.memory_space<vmem>>, vector<16xf32>,
        %swap3A_1011 = arith.constant 6 : i32
        %swap3A_1012 = arith.index_cast %select_n3A_627 : i32 to index
        %swap3A_1013 = arith.index_cast %swap3A_1011 : i32 to index
        %swap3A_1014 = arith.index_cast %mul3A_947 : i32 to index
        %swap3A_1015 = tpu.vector_load %arg5[%swap3A_1012, %swap3A_1013, %swap3A_1014] {strides = array<i32>} : memref<2x8x3968xf32, #tpu.memory_space<vmem>>, vector<16xf32>,
        tpu.vector_store %arg5[%swap3A_1012, %swap3A_1013, %swap3A_1014], %get3A_1010 {strides = array<i32>} : memref<2x8x3968xf32, #tpu.memory_space<vmem>>, vector<16xf32>,
        %add3A_1016 = arith.addi %mul3A_947, %sub3A_634 : i32
        %add3A_1017 = arith.constant 0 : i32
        %add3A_1018 = arith.addi %add3A_1016, %add3A_1017 : i32
        %get3A_1019 = arith.index_cast %add3A_1018 : i32 to index
        %get3A_1020 = tpu.vector_load %arg4[%get3A_1019] {strides = array<i32>} : memref<4096xf32, #tpu.memory_space<vmem>>, vector<16xf32>,
        %swap3A_1021 = arith.constant 7 : i32
        %swap3A_1022 = arith.index_cast %select_n3A_627 : i32 to index
        %swap3A_1023 = arith.index_cast %swap3A_1021 : i32 to index
        %swap3A_1024 = arith.index_cast %mul3A_947 : i32 to index
        %swap3A_1025 = tpu.vector_load %arg5[%swap3A_1022, %swap3A_1023, %swap3A_1024] {strides = array<i32>} : memref<2x8x3968xf32, #tpu.memory_space<vmem>>, vector<16xf32>,
        tpu.vector_store %arg5[%swap3A_1022, %swap3A_1023, %swap3A_1024], %get3A_1020 {strides = array<i32>} : memref<2x8x3968xf32, #tpu.memory_space<vmem>>, vector<16xf32>,
        %scan3A_1026 = arith.constant 1 : i32
        %scan3A_1027 = arith.addi %scan3A_945, %scan3A_1026 : i32
        %mul3A_1028 = arith.constant 16 : i32
        %mul3A_1029 = arith.muli %scan3A_1027, %mul3A_1028 : i32
        %add3A_1030 = arith.addi %mul3A_1029, %sub3A_634 : i32
        %add3A_1031 = arith.constant 7 : i32
        %add3A_1032 = arith.addi %add3A_1030, %add3A_1031 : i32
        %get3A_1033 = arith.index_cast %add3A_1032 : i32 to index
        %get3A_1034 = tpu.vector_load %arg4[%get3A_1033] {strides = array<i32>} : memref<4096xf32, #tpu.memory_space<vmem>>, vector<16xf32>,
        %swap3A_1035 = arith.constant 0 : i32
        %swap3A_1036 = arith.index_cast %select_n3A_627 : i32 to index
        %swap3A_1037 = arith.index_cast %swap3A_1035 : i32 to index
        %swap3A_1038 = arith.index_cast %mul3A_1029 : i32 to index
        %swap3A_1039 = tpu.vector_load %arg5[%swap3A_1036, %swap3A_1037, %swap3A_1038] {strides = array<i32>} : memref<2x8x3968xf32, #tpu.memory_space<vmem>>, vector<16xf32>,
        tpu.vector_store %arg5[%swap3A_1036, %swap3A_1037, %swap3A_1038], %get3A_1034 {strides = array<i32>} : memref<2x8x3968xf32, #tpu.memory_space<vmem>>, vector<16xf32>,
        %add3A_1040 = arith.addi %mul3A_1029, %sub3A_634 : i32
        %add3A_1041 = arith.constant 6 : i32
        %add3A_1042 = arith.addi %add3A_1040, %add3A_1041 : i32
        %get3A_1043 = arith.index_cast %add3A_1042 : i32 to index
        %get3A_1044 = tpu.vector_load %arg4[%get3A_1043] {strides = array<i32>} : memref<4096xf32, #tpu.memory_space<vmem>>, vector<16xf32>,
        %swap3A_1045 = arith.constant 1 : i32
        %swap3A_1046 = arith.index_cast %select_n3A_627 : i32 to index
        %swap3A_1047 = arith.index_cast %swap3A_1045 : i32 to index
        %swap3A_1048 = arith.index_cast %mul3A_1029 : i32 to index
        %swap3A_1049 = tpu.vector_load %arg5[%swap3A_1046, %swap3A_1047, %swap3A_1048] {strides = array<i32>} : memref<2x8x3968xf32, #tpu.memory_space<vmem>>, vector<16xf32>,
        tpu.vector_store %arg5[%swap3A_1046, %swap3A_1047, %swap3A_1048], %get3A_1044 {strides = array<i32>} : memref<2x8x3968xf32, #tpu.memory_space<vmem>>, vector<16xf32>,
        %add3A_1050 = arith.addi %mul3A_1029, %sub3A_634 : i32
        %add3A_1051 = arith.constant 5 : i32
        %add3A_1052 = arith.addi %add3A_1050, %add3A_1051 : i32
        %get3A_1053 = arith.index_cast %add3A_1052 : i32 to index
        %get3A_1054 = tpu.vector_load %arg4[%get3A_1053] {strides = array<i32>} : memref<4096xf32, #tpu.memory_space<vmem>>, vector<16xf32>,
        %swap3A_1055 = arith.constant 2 : i32
        %swap3A_1056 = arith.index_cast %select_n3A_627 : i32 to index
        %swap3A_1057 = arith.index_cast %swap3A_1055 : i32 to index
        %swap3A_1058 = arith.index_cast %mul3A_1029 : i32 to index
        %swap3A_1059 = tpu.vector_load %arg5[%swap3A_1056, %swap3A_1057, %swap3A_1058] {strides = array<i32>} : memref<2x8x3968xf32, #tpu.memory_space<vmem>>, vector<16xf32>,
        tpu.vector_store %arg5[%swap3A_1056, %swap3A_1057, %swap3A_1058], %get3A_1054 {strides = array<i32>} : memref<2x8x3968xf32, #tpu.memory_space<vmem>>, vector<16xf32>,
        %add3A_1060 = arith.addi %mul3A_1029, %sub3A_634 : i32
        %add3A_1061 = arith.constant 4 : i32
        %add3A_1062 = arith.addi %add3A_1060, %add3A_1061 : i32
        %get3A_1063 = arith.index_cast %add3A_1062 : i32 to index
        %get3A_1064 = tpu.vector_load %arg4[%get3A_1063] {strides = array<i32>} : memref<4096xf32, #tpu.memory_space<vmem>>, vector<16xf32>,
        %swap3A_1065 = arith.constant 3 : i32
        %swap3A_1066 = arith.index_cast %select_n3A_627 : i32 to index
        %swap3A_1067 = arith.index_cast %swap3A_1065 : i32 to index
        %swap3A_1068 = arith.index_cast %mul3A_1029 : i32 to index
        %swap3A_1069 = tpu.vector_load %arg5[%swap3A_1066, %swap3A_1067, %swap3A_1068] {strides = array<i32>} : memref<2x8x3968xf32, #tpu.memory_space<vmem>>, vector<16xf32>,
        tpu.vector_store %arg5[%swap3A_1066, %swap3A_1067, %swap3A_1068], %get3A_1064 {strides = array<i32>} : memref<2x8x3968xf32, #tpu.memory_space<vmem>>, vector<16xf32>,
        %add3A_1070 = arith.addi %mul3A_1029, %sub3A_634 : i32
        %add3A_1071 = arith.constant 3 : i32
        %add3A_1072 = arith.addi %add3A_1070, %add3A_1071 : i32
        %get3A_1073 = arith.index_cast %add3A_1072 : i32 to index
        %get3A_1074 = tpu.vector_load %arg4[%get3A_1073] {strides = array<i32>} : memref<4096xf32, #tpu.memory_space<vmem>>, vector<16xf32>,
        %swap3A_1075 = arith.constant 4 : i32
        %swap3A_1076 = arith.index_cast %select_n3A_627 : i32 to index
        %swap3A_1077 = arith.index_cast %swap3A_1075 : i32 to index
        %swap3A_1078 = arith.index_cast %mul3A_1029 : i32 to index
        %swap3A_1079 = tpu.vector_load %arg5[%swap3A_1076, %swap3A_1077, %swap3A_1078] {strides = array<i32>} : memref<2x8x3968xf32, #tpu.memory_space<vmem>>, vector<16xf32>,
        tpu.vector_store %arg5[%swap3A_1076, %swap3A_1077, %swap3A_1078], %get3A_1074 {strides = array<i32>} : memref<2x8x3968xf32, #tpu.memory_space<vmem>>, vector<16xf32>,
        %add3A_1080 = arith.addi %mul3A_1029, %sub3A_634 : i32
        %add3A_1081 = arith.constant 2 : i32
        %add3A_1082 = arith.addi %add3A_1080, %add3A_1081 : i32
        %get3A_1083 = arith.index_cast %add3A_1082 : i32 to index
        %get3A_1084 = tpu.vector_load %arg4[%get3A_1083] {strides = array<i32>} : memref<4096xf32, #tpu.memory_space<vmem>>, vector<16xf32>,
        %swap3A_1085 = arith.constant 5 : i32
        %swap3A_1086 = arith.index_cast %select_n3A_627 : i32 to index
        %swap3A_1087 = arith.index_cast %swap3A_1085 : i32 to index
        %swap3A_1088 = arith.index_cast %mul3A_1029 : i32 to index
        %swap3A_1089 = tpu.vector_load %arg5[%swap3A_1086, %swap3A_1087, %swap3A_1088] {strides = array<i32>} : memref<2x8x3968xf32, #tpu.memory_space<vmem>>, vector<16xf32>,
        tpu.vector_store %arg5[%swap3A_1086, %swap3A_1087, %swap3A_1088], %get3A_1084 {strides = array<i32>} : memref<2x8x3968xf32, #tpu.memory_space<vmem>>, vector<16xf32>,
        %add3A_1090 = arith.addi %mul3A_1029, %sub3A_634 : i32
        %add3A_1091 = arith.constant 1 : i32
        %add3A_1092 = arith.addi %add3A_1090, %add3A_1091 : i32
        %get3A_1093 = arith.index_cast %add3A_1092 : i32 to index
        %get3A_1094 = tpu.vector_load %arg4[%get3A_1093] {strides = array<i32>} : memref<4096xf32, #tpu.memory_space<vmem>>, vector<16xf32>,
        %swap3A_1095 = arith.constant 6 : i32
        %swap3A_1096 = arith.index_cast %select_n3A_627 : i32 to index
        %swap3A_1097 = arith.index_cast %swap3A_1095 : i32 to index
        %swap3A_1098 = arith.index_cast %mul3A_1029 : i32 to index
        %swap3A_1099 = tpu.vector_load %arg5[%swap3A_1096, %swap3A_1097, %swap3A_1098] {strides = array<i32>} : memref<2x8x3968xf32, #tpu.memory_space<vmem>>, vector<16xf32>,
        tpu.vector_store %arg5[%swap3A_1096, %swap3A_1097, %swap3A_1098], %get3A_1094 {strides = array<i32>} : memref<2x8x3968xf32, #tpu.memory_space<vmem>>, vector<16xf32>,
        %add3A_1100 = arith.addi %mul3A_1029, %sub3A_634 : i32
        %add3A_1101 = arith.constant 0 : i32
        %add3A_1102 = arith.addi %add3A_1100, %add3A_1101 : i32
        %get3A_1103 = arith.index_cast %add3A_1102 : i32 to index
        %get3A_1104 = tpu.vector_load %arg4[%get3A_1103] {strides = array<i32>} : memref<4096xf32, #tpu.memory_space<vmem>>, vector<16xf32>,
        %swap3A_1105 = arith.constant 7 : i32
        %swap3A_1106 = arith.index_cast %select_n3A_627 : i32 to index
        %swap3A_1107 = arith.index_cast %swap3A_1105 : i32 to index
        %swap3A_1108 = arith.index_cast %mul3A_1029 : i32 to index
        %swap3A_1109 = tpu.vector_load %arg5[%swap3A_1106, %swap3A_1107, %swap3A_1108] {strides = array<i32>} : memref<2x8x3968xf32, #tpu.memory_space<vmem>>, vector<16xf32>,
        tpu.vector_store %arg5[%swap3A_1106, %swap3A_1107, %swap3A_1108], %get3A_1104 {strides = array<i32>} : memref<2x8x3968xf32, #tpu.memory_space<vmem>>, vector<16xf32>,
      }
      %scan3A_642 = arith.constant 248 : i32
      %multiple_of3A = arith.constant 1920 : i32
      %multiple_of3A_643 = tpu.assume_multiple %multiple_of3A, 128 : i32
      %mul3A_644 = arith.constant 8 : i32
      %mul3A_645 = arith.muli %mul3A_644, %add3A_630 : i32
      %add3A_646 = arith.constant 0 : i32
      %add3A_647 = arith.addi %add3A_646, %mul3A_645 : i32
      %multiple_of3A_648 = tpu.assume_multiple %add3A_647, 8 : i32
      %dma_start3A = arith.constant 0 : i32
      %dma_start3A_649 = tpu.memref_slice %arg5[%select_n3A_627, %dma_start3A, %multiple_of3A_643] : memref<2x8x3968xf32, #tpu.memory_space<vmem>> -> memref<1x8x2048xf32, #tpu.memory_space<vmem>>
      %dma_start3A_650 = tpu.memref_squeeze %dma_start3A_649 : memref<1x8x2048xf32, #tpu.memory_space<vmem>> -> memref<8x2048xf32, #tpu.memory_space<vmem>>
      %dma_start3A_651 = arith.constant 0 : i32
      %dma_start3A_652 = tpu.memref_slice %arg3[%select_n3A, %multiple_of3A_648, %dma_start3A_651] : memref<16x2048x2048xf32, #tpu.memory_space<hbm>> -> memref<1x8x2048xf32, #tpu.memory_space<hbm>>
      %dma_start3A_653 = tpu.memref_squeeze %dma_start3A_652 : memref<1x8x2048xf32, #tpu.memory_space<hbm>> -> memref<8x2048xf32, #tpu.memory_space<hbm>>
      %dma_start3A_654 = arith.constant 0 : i32
      %dma_start3A_655 = tpu.memref_slice %arg3[%select_n3A, %multiple_of3A_648, %dma_start3A_654] : memref<16x2048x2048xf32, #tpu.memory_space<hbm>> -> memref<1x8x2048xf32, #tpu.memory_space<hbm>>
      %dma_start3A_656 = tpu.memref_squeeze %dma_start3A_655 : memref<1x8x2048xf32, #tpu.memory_space<hbm>> -> memref<8x2048xf32, #tpu.memory_space<hbm>>
      %dma_start3A_657 = arith.constant 0 : i32
      %dma_start3A_658 = tpu.memref_slice %arg5[%select_n3A_627, %dma_start3A_657, %multiple_of3A_643] : memref<2x8x3968xf32, #tpu.memory_space<vmem>> -> memref<1x8x2048xf32, #tpu.memory_space<vmem>>
      %dma_start3A_659 = tpu.memref_squeeze %dma_start3A_658 : memref<1x8x2048xf32, #tpu.memory_space<vmem>> -> memref<8x2048xf32, #tpu.memory_space<vmem>>
      tpu.enqueue_dma source(%dma_start3A_659 : memref<8x2048xf32, #tpu.memory_space<vmem>>) target(%dma_start3A_656 : memref<8x2048xf32, #tpu.memory_space<hbm>>) target_semaphore(%arg6 : memref<!tpu.dma_semaphore, #tpu.memory_space<semaphore_mem>>)
      %multiple_of3A_660 = arith.constant 1792 : i32
      %multiple_of3A_661 = tpu.assume_multiple %multiple_of3A_660, 128 : i32
      %mul3A_662 = arith.constant 8 : i32
      %mul3A_663 = arith.muli %mul3A_662, %add3A_630 : i32
      %add3A_664 = arith.constant 128 : i32
      %add3A_665 = arith.addi %add3A_664, %mul3A_663 : i32
      %multiple_of3A_666 = tpu.assume_multiple %add3A_665, 8 : i32
      %dma_start3A_667 = arith.constant 0 : i32
      %dma_start3A_668 = tpu.memref_slice %arg5[%select_n3A_627, %dma_start3A_667, %multiple_of3A_661] : memref<2x8x3968xf32, #tpu.memory_space<vmem>> -> memref<1x8x2048xf32, #tpu.memory_space<vmem>>
      %dma_start3A_669 = tpu.memref_squeeze %dma_start3A_668 : memref<1x8x2048xf32, #tpu.memory_space<vmem>> -> memref<8x2048xf32, #tpu.memory_space<vmem>>
      %dma_start3A_670 = arith.constant 0 : i32
      %dma_start3A_671 = tpu.memref_slice %arg3[%select_n3A, %multiple_of3A_666, %dma_start3A_670] : memref<16x2048x2048xf32, #tpu.memory_space<hbm>> -> memref<1x8x2048xf32, #tpu.memory_space<hbm>>
      %dma_start3A_672 = tpu.memref_squeeze %dma_start3A_671 : memref<1x8x2048xf32, #tpu.memory_space<hbm>> -> memref<8x2048xf32, #tpu.memory_space<hbm>>
      %dma_start3A_673 = arith.constant 0 : i32
      %dma_start3A_674 = tpu.memref_slice %arg3[%select_n3A, %multiple_of3A_666, %dma_start3A_673] : memref<16x2048x2048xf32, #tpu.memory_space<hbm>> -> memref<1x8x2048xf32, #tpu.memory_space<hbm>>
      %dma_start3A_675 = tpu.memref_squeeze %dma_start3A_674 : memref<1x8x2048xf32, #tpu.memory_space<hbm>> -> memref<8x2048xf32, #tpu.memory_space<hbm>>
      %dma_start3A_676 = arith.constant 0 : i32
      %dma_start3A_677 = tpu.memref_slice %arg5[%select_n3A_627, %dma_start3A_676, %multiple_of3A_661] : memref<2x8x3968xf32, #tpu.memory_space<vmem>> -> memref<1x8x2048xf32, #tpu.memory_space<vmem>>
      %dma_start3A_678 = tpu.memref_squeeze %dma_start3A_677 : memref<1x8x2048xf32, #tpu.memory_space<vmem>> -> memref<8x2048xf32, #tpu.memory_space<vmem>>
      tpu.enqueue_dma source(%dma_start3A_678 : memref<8x2048xf32, #tpu.memory_space<vmem>>) target(%dma_start3A_675 : memref<8x2048xf32, #tpu.memory_space<hbm>>) target_semaphore(%arg6 : memref<!tpu.dma_semaphore, #tpu.memory_space<semaphore_mem>>)
      %multiple_of3A_679 = arith.constant 1664 : i32
      %multiple_of3A_680 = tpu.assume_multiple %multiple_of3A_679, 128 : i32
      %mul3A_681 = arith.constant 8 : i32
      %mul3A_682 = arith.muli %mul3A_681, %add3A_630 : i32
      %add3A_683 = arith.constant 256 : i32
      %add3A_684 = arith.addi %add3A_683, %mul3A_682 : i32
      %multiple_of3A_685 = tpu.assume_multiple %add3A_684, 8 : i32
      %dma_start3A_686 = arith.constant 0 : i32
      %dma_start3A_687 = tpu.memref_slice %arg5[%select_n3A_627, %dma_start3A_686, %multiple_of3A_680] : memref<2x8x3968xf32, #tpu.memory_space<vmem>> -> memref<1x8x2048xf32, #tpu.memory_space<vmem>>
      %dma_start3A_688 = tpu.memref_squeeze %dma_start3A_687 : memref<1x8x2048xf32, #tpu.memory_space<vmem>> -> memref<8x2048xf32, #tpu.memory_space<vmem>>
      %dma_start3A_689 = arith.constant 0 : i32
      %dma_start3A_690 = tpu.memref_slice %arg3[%select_n3A, %multiple_of3A_685, %dma_start3A_689] : memref<16x2048x2048xf32, #tpu.memory_space<hbm>> -> memref<1x8x2048xf32, #tpu.memory_space<hbm>>
      %dma_start3A_691 = tpu.memref_squeeze %dma_start3A_690 : memref<1x8x2048xf32, #tpu.memory_space<hbm>> -> memref<8x2048xf32, #tpu.memory_space<hbm>>
      %dma_start3A_692 = arith.constant 0 : i32
      %dma_start3A_693 = tpu.memref_slice %arg3[%select_n3A, %multiple_of3A_685, %dma_start3A_692] : memref<16x2048x2048xf32, #tpu.memory_space<hbm>> -> memref<1x8x2048xf32, #tpu.memory_space<hbm>>
      %dma_start3A_694 = tpu.memref_squeeze %dma_start3A_693 : memref<1x8x2048xf32, #tpu.memory_space<hbm>> -> memref<8x2048xf32, #tpu.memory_space<hbm>>
      %dma_start3A_695 = arith.constant 0 : i32
      %dma_start3A_696 = tpu.memref_slice %arg5[%select_n3A_627, %dma_start3A_695, %multiple_of3A_680] : memref<2x8x3968xf32, #tpu.memory_space<vmem>> -> memref<1x8x2048xf32, #tpu.memory_space<vmem>>
      %dma_start3A_697 = tpu.memref_squeeze %dma_start3A_696 : memref<1x8x2048xf32, #tpu.memory_space<vmem>> -> memref<8x2048xf32, #tpu.memory_space<vmem>>
      tpu.enqueue_dma source(%dma_start3A_697 : memref<8x2048xf32, #tpu.memory_space<vmem>>) target(%dma_start3A_694 : memref<8x2048xf32, #tpu.memory_space<hbm>>) target_semaphore(%arg6 : memref<!tpu.dma_semaphore, #tpu.memory_space<semaphore_mem>>)
      %multiple_of3A_698 = arith.constant 1536 : i32
      %multiple_of3A_699 = tpu.assume_multiple %multiple_of3A_698, 128 : i32
      %mul3A_700 = arith.constant 8 : i32
      %mul3A_701 = arith.muli %mul3A_700, %add3A_630 : i32
      %add3A_702 = arith.constant 384 : i32
      %add3A_703 = arith.addi %add3A_702, %mul3A_701 : i32
      %multiple_of3A_704 = tpu.assume_multiple %add3A_703, 8 : i32
      %dma_start3A_705 = arith.constant 0 : i32
      %dma_start3A_706 = tpu.memref_slice %arg5[%select_n3A_627, %dma_start3A_705, %multiple_of3A_699] : memref<2x8x3968xf32, #tpu.memory_space<vmem>> -> memref<1x8x2048xf32, #tpu.memory_space<vmem>>
      %dma_start3A_707 = tpu.memref_squeeze %dma_start3A_706 : memref<1x8x2048xf32, #tpu.memory_space<vmem>> -> memref<8x2048xf32, #tpu.memory_space<vmem>>
      %dma_start3A_708 = arith.constant 0 : i32
      %dma_start3A_709 = tpu.memref_slice %arg3[%select_n3A, %multiple_of3A_704, %dma_start3A_708] : memref<16x2048x2048xf32, #tpu.memory_space<hbm>> -> memref<1x8x2048xf32, #tpu.memory_space<hbm>>
      %dma_start3A_710 = tpu.memref_squeeze %dma_start3A_709 : memref<1x8x2048xf32, #tpu.memory_space<hbm>> -> memref<8x2048xf32, #tpu.memory_space<hbm>>
      %dma_start3A_711 = arith.constant 0 : i32
      %dma_start3A_712 = tpu.memref_slice %arg3[%select_n3A, %multiple_of3A_704, %dma_start3A_711] : memref<16x2048x2048xf32, #tpu.memory_space<hbm>> -> memref<1x8x2048xf32, #tpu.memory_space<hbm>>
      %dma_start3A_713 = tpu.memref_squeeze %dma_start3A_712 : memref<1x8x2048xf32, #tpu.memory_space<hbm>> -> memref<8x2048xf32, #tpu.memory_space<hbm>>
      %dma_start3A_714 = arith.constant 0 : i32
      %dma_start3A_715 = tpu.memref_slice %arg5[%select_n3A_627, %dma_start3A_714, %multiple_of3A_699] : memref<2x8x3968xf32, #tpu.memory_space<vmem>> -> memref<1x8x2048xf32, #tpu.memory_space<vmem>>
      %dma_start3A_716 = tpu.memref_squeeze %dma_start3A_715 : memref<1x8x2048xf32, #tpu.memory_space<vmem>> -> memref<8x2048xf32, #tpu.memory_space<vmem>>
      tpu.enqueue_dma source(%dma_start3A_716 : memref<8x2048xf32, #tpu.memory_space<vmem>>) target(%dma_start3A_713 : memref<8x2048xf32, #tpu.memory_space<hbm>>) target_semaphore(%arg6 : memref<!tpu.dma_semaphore, #tpu.memory_space<semaphore_mem>>)
      %multiple_of3A_717 = arith.constant 1408 : i32
      %multiple_of3A_718 = tpu.assume_multiple %multiple_of3A_717, 128 : i32
      %mul3A_719 = arith.constant 8 : i32
      %mul3A_720 = arith.muli %mul3A_719, %add3A_630 : i32
      %add3A_721 = arith.constant 512 : i32
      %add3A_722 = arith.addi %add3A_721, %mul3A_720 : i32
      %multiple_of3A_723 = tpu.assume_multiple %add3A_722, 8 : i32
      %dma_start3A_724 = arith.constant 0 : i32
      %dma_start3A_725 = tpu.memref_slice %arg5[%select_n3A_627, %dma_start3A_724, %multiple_of3A_718] : memref<2x8x3968xf32, #tpu.memory_space<vmem>> -> memref<1x8x2048xf32, #tpu.memory_space<vmem>>
      %dma_start3A_726 = tpu.memref_squeeze %dma_start3A_725 : memref<1x8x2048xf32, #tpu.memory_space<vmem>> -> memref<8x2048xf32, #tpu.memory_space<vmem>>
      %dma_start3A_727 = arith.constant 0 : i32
      %dma_start3A_728 = tpu.memref_slice %arg3[%select_n3A, %multiple_of3A_723, %dma_start3A_727] : memref<16x2048x2048xf32, #tpu.memory_space<hbm>> -> memref<1x8x2048xf32, #tpu.memory_space<hbm>>
      %dma_start3A_729 = tpu.memref_squeeze %dma_start3A_728 : memref<1x8x2048xf32, #tpu.memory_space<hbm>> -> memref<8x2048xf32, #tpu.memory_space<hbm>>
      %dma_start3A_730 = arith.constant 0 : i32
      %dma_start3A_731 = tpu.memref_slice %arg3[%select_n3A, %multiple_of3A_723, %dma_start3A_730] : memref<16x2048x2048xf32, #tpu.memory_space<hbm>> -> memref<1x8x2048xf32, #tpu.memory_space<hbm>>
      %dma_start3A_732 = tpu.memref_squeeze %dma_start3A_731 : memref<1x8x2048xf32, #tpu.memory_space<hbm>> -> memref<8x2048xf32, #tpu.memory_space<hbm>>
      %dma_start3A_733 = arith.constant 0 : i32
      %dma_start3A_734 = tpu.memref_slice %arg5[%select_n3A_627, %dma_start3A_733, %multiple_of3A_718] : memref<2x8x3968xf32, #tpu.memory_space<vmem>> -> memref<1x8x2048xf32, #tpu.memory_space<vmem>>
      %dma_start3A_735 = tpu.memref_squeeze %dma_start3A_734 : memref<1x8x2048xf32, #tpu.memory_space<vmem>> -> memref<8x2048xf32, #tpu.memory_space<vmem>>
      tpu.enqueue_dma source(%dma_start3A_735 : memref<8x2048xf32, #tpu.memory_space<vmem>>) target(%dma_start3A_732 : memref<8x2048xf32, #tpu.memory_space<hbm>>) target_semaphore(%arg6 : memref<!tpu.dma_semaphore, #tpu.memory_space<semaphore_mem>>)
      %multiple_of3A_736 = arith.constant 1280 : i32
      %multiple_of3A_737 = tpu.assume_multiple %multiple_of3A_736, 128 : i32
      %mul3A_738 = arith.constant 8 : i32
      %mul3A_739 = arith.muli %mul3A_738, %add3A_630 : i32
      %add3A_740 = arith.constant 640 : i32
      %add3A_741 = arith.addi %add3A_740, %mul3A_739 : i32
      %multiple_of3A_742 = tpu.assume_multiple %add3A_741, 8 : i32
      %dma_start3A_743 = arith.constant 0 : i32
      %dma_start3A_744 = tpu.memref_slice %arg5[%select_n3A_627, %dma_start3A_743, %multiple_of3A_737] : memref<2x8x3968xf32, #tpu.memory_space<vmem>> -> memref<1x8x2048xf32, #tpu.memory_space<vmem>>
      %dma_start3A_745 = tpu.memref_squeeze %dma_start3A_744 : memref<1x8x2048xf32, #tpu.memory_space<vmem>> -> memref<8x2048xf32, #tpu.memory_space<vmem>>
      %dma_start3A_746 = arith.constant 0 : i32
      %dma_start3A_747 = tpu.memref_slice %arg3[%select_n3A, %multiple_of3A_742, %dma_start3A_746] : memref<16x2048x2048xf32, #tpu.memory_space<hbm>> -> memref<1x8x2048xf32, #tpu.memory_space<hbm>>
      %dma_start3A_748 = tpu.memref_squeeze %dma_start3A_747 : memref<1x8x2048xf32, #tpu.memory_space<hbm>> -> memref<8x2048xf32, #tpu.memory_space<hbm>>
      %dma_start3A_749 = arith.constant 0 : i32
      %dma_start3A_750 = tpu.memref_slice %arg3[%select_n3A, %multiple_of3A_742, %dma_start3A_749] : memref<16x2048x2048xf32, #tpu.memory_space<hbm>> -> memref<1x8x2048xf32, #tpu.memory_space<hbm>>
      %dma_start3A_751 = tpu.memref_squeeze %dma_start3A_750 : memref<1x8x2048xf32, #tpu.memory_space<hbm>> -> memref<8x2048xf32, #tpu.memory_space<hbm>>
      %dma_start3A_752 = arith.constant 0 : i32
      %dma_start3A_753 = tpu.memref_slice %arg5[%select_n3A_627, %dma_start3A_752, %multiple_of3A_737] : memref<2x8x3968xf32, #tpu.memory_space<vmem>> -> memref<1x8x2048xf32, #tpu.memory_space<vmem>>
      %dma_start3A_754 = tpu.memref_squeeze %dma_start3A_753 : memref<1x8x2048xf32, #tpu.memory_space<vmem>> -> memref<8x2048xf32, #tpu.memory_space<vmem>>
      tpu.enqueue_dma source(%dma_start3A_754 : memref<8x2048xf32, #tpu.memory_space<vmem>>) target(%dma_start3A_751 : memref<8x2048xf32, #tpu.memory_space<hbm>>) target_semaphore(%arg6 : memref<!tpu.dma_semaphore, #tpu.memory_space<semaphore_mem>>)
      %multiple_of3A_755 = arith.constant 1152 : i32
      %multiple_of3A_756 = tpu.assume_multiple %multiple_of3A_755, 128 : i32
      %mul3A_757 = arith.constant 8 : i32
      %mul3A_758 = arith.muli %mul3A_757, %add3A_630 : i32
      %add3A_759 = arith.constant 768 : i32
      %add3A_760 = arith.addi %add3A_759, %mul3A_758 : i32
      %multiple_of3A_761 = tpu.assume_multiple %add3A_760, 8 : i32
      %dma_start3A_762 = arith.constant 0 : i32
      %dma_start3A_763 = tpu.memref_slice %arg5[%select_n3A_627, %dma_start3A_762, %multiple_of3A_756] : memref<2x8x3968xf32, #tpu.memory_space<vmem>> -> memref<1x8x2048xf32, #tpu.memory_space<vmem>>
      %dma_start3A_764 = tpu.memref_squeeze %dma_start3A_763 : memref<1x8x2048xf32, #tpu.memory_space<vmem>> -> memref<8x2048xf32, #tpu.memory_space<vmem>>
      %dma_start3A_765 = arith.constant 0 : i32
      %dma_start3A_766 = tpu.memref_slice %arg3[%select_n3A, %multiple_of3A_761, %dma_start3A_765] : memref<16x2048x2048xf32, #tpu.memory_space<hbm>> -> memref<1x8x2048xf32, #tpu.memory_space<hbm>>
      %dma_start3A_767 = tpu.memref_squeeze %dma_start3A_766 : memref<1x8x2048xf32, #tpu.memory_space<hbm>> -> memref<8x2048xf32, #tpu.memory_space<hbm>>
      %dma_start3A_768 = arith.constant 0 : i32
      %dma_start3A_769 = tpu.memref_slice %arg3[%select_n3A, %multiple_of3A_761, %dma_start3A_768] : memref<16x2048x2048xf32, #tpu.memory_space<hbm>> -> memref<1x8x2048xf32, #tpu.memory_space<hbm>>
      %dma_start3A_770 = tpu.memref_squeeze %dma_start3A_769 : memref<1x8x2048xf32, #tpu.memory_space<hbm>> -> memref<8x2048xf32, #tpu.memory_space<hbm>>
      %dma_start3A_771 = arith.constant 0 : i32
      %dma_start3A_772 = tpu.memref_slice %arg5[%select_n3A_627, %dma_start3A_771, %multiple_of3A_756] : memref<2x8x3968xf32, #tpu.memory_space<vmem>> -> memref<1x8x2048xf32, #tpu.memory_space<vmem>>
      %dma_start3A_773 = tpu.memref_squeeze %dma_start3A_772 : memref<1x8x2048xf32, #tpu.memory_space<vmem>> -> memref<8x2048xf32, #tpu.memory_space<vmem>>
      tpu.enqueue_dma source(%dma_start3A_773 : memref<8x2048xf32, #tpu.memory_space<vmem>>) target(%dma_start3A_770 : memref<8x2048xf32, #tpu.memory_space<hbm>>) target_semaphore(%arg6 : memref<!tpu.dma_semaphore, #tpu.memory_space<semaphore_mem>>)
      %multiple_of3A_774 = arith.constant 1024 : i32
      %multiple_of3A_775 = tpu.assume_multiple %multiple_of3A_774, 128 : i32
      %mul3A_776 = arith.constant 8 : i32
      %mul3A_777 = arith.muli %mul3A_776, %add3A_630 : i32
      %add3A_778 = arith.constant 896 : i32
      %add3A_779 = arith.addi %add3A_778, %mul3A_777 : i32
      %multiple_of3A_780 = tpu.assume_multiple %add3A_779, 8 : i32
      %dma_start3A_781 = arith.constant 0 : i32
      %dma_start3A_782 = tpu.memref_slice %arg5[%select_n3A_627, %dma_start3A_781, %multiple_of3A_775] : memref<2x8x3968xf32, #tpu.memory_space<vmem>> -> memref<1x8x2048xf32, #tpu.memory_space<vmem>>
      %dma_start3A_783 = tpu.memref_squeeze %dma_start3A_782 : memref<1x8x2048xf32, #tpu.memory_space<vmem>> -> memref<8x2048xf32, #tpu.memory_space<vmem>>
      %dma_start3A_784 = arith.constant 0 : i32
      %dma_start3A_785 = tpu.memref_slice %arg3[%select_n3A, %multiple_of3A_780, %dma_start3A_784] : memref<16x2048x2048xf32, #tpu.memory_space<hbm>> -> memref<1x8x2048xf32, #tpu.memory_space<hbm>>
      %dma_start3A_786 = tpu.memref_squeeze %dma_start3A_785 : memref<1x8x2048xf32, #tpu.memory_space<hbm>> -> memref<8x2048xf32, #tpu.memory_space<hbm>>
      %dma_start3A_787 = arith.constant 0 : i32
      %dma_start3A_788 = tpu.memref_slice %arg3[%select_n3A, %multiple_of3A_780, %dma_start3A_787] : memref<16x2048x2048xf32, #tpu.memory_space<hbm>> -> memref<1x8x2048xf32, #tpu.memory_space<hbm>>
      %dma_start3A_789 = tpu.memref_squeeze %dma_start3A_788 : memref<1x8x2048xf32, #tpu.memory_space<hbm>> -> memref<8x2048xf32, #tpu.memory_space<hbm>>
      %dma_start3A_790 = arith.constant 0 : i32
      %dma_start3A_791 = tpu.memref_slice %arg5[%select_n3A_627, %dma_start3A_790, %multiple_of3A_775] : memref<2x8x3968xf32, #tpu.memory_space<vmem>> -> memref<1x8x2048xf32, #tpu.memory_space<vmem>>
      %dma_start3A_792 = tpu.memref_squeeze %dma_start3A_791 : memref<1x8x2048xf32, #tpu.memory_space<vmem>> -> memref<8x2048xf32, #tpu.memory_space<vmem>>
      tpu.enqueue_dma source(%dma_start3A_792 : memref<8x2048xf32, #tpu.memory_space<vmem>>) target(%dma_start3A_789 : memref<8x2048xf32, #tpu.memory_space<hbm>>) target_semaphore(%arg6 : memref<!tpu.dma_semaphore, #tpu.memory_space<semaphore_mem>>)
      %multiple_of3A_793 = arith.constant 896 : i32
      %multiple_of3A_794 = tpu.assume_multiple %multiple_of3A_793, 128 : i32
      %mul3A_795 = arith.constant 8 : i32
      %mul3A_796 = arith.muli %mul3A_795, %add3A_630 : i32
      %add3A_797 = arith.constant 1024 : i32
      %add3A_798 = arith.addi %add3A_797, %mul3A_796 : i32
      %multiple_of3A_799 = tpu.assume_multiple %add3A_798, 8 : i32
      %dma_start3A_800 = arith.constant 0 : i32
      %dma_start3A_801 = tpu.memref_slice %arg5[%select_n3A_627, %dma_start3A_800, %multiple_of3A_794] : memref<2x8x3968xf32, #tpu.memory_space<vmem>> -> memref<1x8x2048xf32, #tpu.memory_space<vmem>>
      %dma_start3A_802 = tpu.memref_squeeze %dma_start3A_801 : memref<1x8x2048xf32, #tpu.memory_space<vmem>> -> memref<8x2048xf32, #tpu.memory_space<vmem>>
      %dma_start3A_803 = arith.constant 0 : i32
      %dma_start3A_804 = tpu.memref_slice %arg3[%select_n3A, %multiple_of3A_799, %dma_start3A_803] : memref<16x2048x2048xf32, #tpu.memory_space<hbm>> -> memref<1x8x2048xf32, #tpu.memory_space<hbm>>
      %dma_start3A_805 = tpu.memref_squeeze %dma_start3A_804 : memref<1x8x2048xf32, #tpu.memory_space<hbm>> -> memref<8x2048xf32, #tpu.memory_space<hbm>>
      %dma_start3A_806 = arith.constant 0 : i32
      %dma_start3A_807 = tpu.memref_slice %arg3[%select_n3A, %multiple_of3A_799, %dma_start3A_806] : memref<16x2048x2048xf32, #tpu.memory_space<hbm>> -> memref<1x8x2048xf32, #tpu.memory_space<hbm>>
      %dma_start3A_808 = tpu.memref_squeeze %dma_start3A_807 : memref<1x8x2048xf32, #tpu.memory_space<hbm>> -> memref<8x2048xf32, #tpu.memory_space<hbm>>
      %dma_start3A_809 = arith.constant 0 : i32
      %dma_start3A_810 = tpu.memref_slice %arg5[%select_n3A_627, %dma_start3A_809, %multiple_of3A_794] : memref<2x8x3968xf32, #tpu.memory_space<vmem>> -> memref<1x8x2048xf32, #tpu.memory_space<vmem>>
      %dma_start3A_811 = tpu.memref_squeeze %dma_start3A_810 : memref<1x8x2048xf32, #tpu.memory_space<vmem>> -> memref<8x2048xf32, #tpu.memory_space<vmem>>
      tpu.enqueue_dma source(%dma_start3A_811 : memref<8x2048xf32, #tpu.memory_space<vmem>>) target(%dma_start3A_808 : memref<8x2048xf32, #tpu.memory_space<hbm>>) target_semaphore(%arg6 : memref<!tpu.dma_semaphore, #tpu.memory_space<semaphore_mem>>)
      %multiple_of3A_812 = arith.constant 768 : i32
      %multiple_of3A_813 = tpu.assume_multiple %multiple_of3A_812, 128 : i32
      %mul3A_814 = arith.constant 8 : i32
      %mul3A_815 = arith.muli %mul3A_814, %add3A_630 : i32
      %add3A_816 = arith.constant 1152 : i32
      %add3A_817 = arith.addi %add3A_816, %mul3A_815 : i32
      %multiple_of3A_818 = tpu.assume_multiple %add3A_817, 8 : i32
      %dma_start3A_819 = arith.constant 0 : i32
      %dma_start3A_820 = tpu.memref_slice %arg5[%select_n3A_627, %dma_start3A_819, %multiple_of3A_813] : memref<2x8x3968xf32, #tpu.memory_space<vmem>> -> memref<1x8x2048xf32, #tpu.memory_space<vmem>>
      %dma_start3A_821 = tpu.memref_squeeze %dma_start3A_820 : memref<1x8x2048xf32, #tpu.memory_space<vmem>> -> memref<8x2048xf32, #tpu.memory_space<vmem>>
      %dma_start3A_822 = arith.constant 0 : i32
      %dma_start3A_823 = tpu.memref_slice %arg3[%select_n3A, %multiple_of3A_818, %dma_start3A_822] : memref<16x2048x2048xf32, #tpu.memory_space<hbm>> -> memref<1x8x2048xf32, #tpu.memory_space<hbm>>
      %dma_start3A_824 = tpu.memref_squeeze %dma_start3A_823 : memref<1x8x2048xf32, #tpu.memory_space<hbm>> -> memref<8x2048xf32, #tpu.memory_space<hbm>>
      %dma_start3A_825 = arith.constant 0 : i32
      %dma_start3A_826 = tpu.memref_slice %arg3[%select_n3A, %multiple_of3A_818, %dma_start3A_825] : memref<16x2048x2048xf32, #tpu.memory_space<hbm>> -> memref<1x8x2048xf32, #tpu.memory_space<hbm>>
      %dma_start3A_827 = tpu.memref_squeeze %dma_start3A_826 : memref<1x8x2048xf32, #tpu.memory_space<hbm>> -> memref<8x2048xf32, #tpu.memory_space<hbm>>
      %dma_start3A_828 = arith.constant 0 : i32
      %dma_start3A_829 = tpu.memref_slice %arg5[%select_n3A_627, %dma_start3A_828, %multiple_of3A_813] : memref<2x8x3968xf32, #tpu.memory_space<vmem>> -> memref<1x8x2048xf32, #tpu.memory_space<vmem>>
      %dma_start3A_830 = tpu.memref_squeeze %dma_start3A_829 : memref<1x8x2048xf32, #tpu.memory_space<vmem>> -> memref<8x2048xf32, #tpu.memory_space<vmem>>
      tpu.enqueue_dma source(%dma_start3A_830 : memref<8x2048xf32, #tpu.memory_space<vmem>>) target(%dma_start3A_827 : memref<8x2048xf32, #tpu.memory_space<hbm>>) target_semaphore(%arg6 : memref<!tpu.dma_semaphore, #tpu.memory_space<semaphore_mem>>)
      %multiple_of3A_831 = arith.constant 640 : i32
      %multiple_of3A_832 = tpu.assume_multiple %multiple_of3A_831, 128 : i32
      %mul3A_833 = arith.constant 8 : i32
      %mul3A_834 = arith.muli %mul3A_833, %add3A_630 : i32
      %add3A_835 = arith.constant 1280 : i32
      %add3A_836 = arith.addi %add3A_835, %mul3A_834 : i32
      %multiple_of3A_837 = tpu.assume_multiple %add3A_836, 8 : i32
      %dma_start3A_838 = arith.constant 0 : i32
      %dma_start3A_839 = tpu.memref_slice %arg5[%select_n3A_627, %dma_start3A_838, %multiple_of3A_832] : memref<2x8x3968xf32, #tpu.memory_space<vmem>> -> memref<1x8x2048xf32, #tpu.memory_space<vmem>>
      %dma_start3A_840 = tpu.memref_squeeze %dma_start3A_839 : memref<1x8x2048xf32, #tpu.memory_space<vmem>> -> memref<8x2048xf32, #tpu.memory_space<vmem>>
      %dma_start3A_841 = arith.constant 0 : i32
      %dma_start3A_842 = tpu.memref_slice %arg3[%select_n3A, %multiple_of3A_837, %dma_start3A_841] : memref<16x2048x2048xf32, #tpu.memory_space<hbm>> -> memref<1x8x2048xf32, #tpu.memory_space<hbm>>
      %dma_start3A_843 = tpu.memref_squeeze %dma_start3A_842 : memref<1x8x2048xf32, #tpu.memory_space<hbm>> -> memref<8x2048xf32, #tpu.memory_space<hbm>>
      %dma_start3A_844 = arith.constant 0 : i32
      %dma_start3A_845 = tpu.memref_slice %arg3[%select_n3A, %multiple_of3A_837, %dma_start3A_844] : memref<16x2048x2048xf32, #tpu.memory_space<hbm>> -> memref<1x8x2048xf32, #tpu.memory_space<hbm>>
      %dma_start3A_846 = tpu.memref_squeeze %dma_start3A_845 : memref<1x8x2048xf32, #tpu.memory_space<hbm>> -> memref<8x2048xf32, #tpu.memory_space<hbm>>
      %dma_start3A_847 = arith.constant 0 : i32
      %dma_start3A_848 = tpu.memref_slice %arg5[%select_n3A_627, %dma_start3A_847, %multiple_of3A_832] : memref<2x8x3968xf32, #tpu.memory_space<vmem>> -> memref<1x8x2048xf32, #tpu.memory_space<vmem>>
      %dma_start3A_849 = tpu.memref_squeeze %dma_start3A_848 : memref<1x8x2048xf32, #tpu.memory_space<vmem>> -> memref<8x2048xf32, #tpu.memory_space<vmem>>
      tpu.enqueue_dma source(%dma_start3A_849 : memref<8x2048xf32, #tpu.memory_space<vmem>>) target(%dma_start3A_846 : memref<8x2048xf32, #tpu.memory_space<hbm>>) target_semaphore(%arg6 : memref<!tpu.dma_semaphore, #tpu.memory_space<semaphore_mem>>)
      %multiple_of3A_850 = arith.constant 512 : i32
      %multiple_of3A_851 = tpu.assume_multiple %multiple_of3A_850, 128 : i32
      %mul3A_852 = arith.constant 8 : i32
      %mul3A_853 = arith.muli %mul3A_852, %add3A_630 : i32
      %add3A_854 = arith.constant 1408 : i32
      %add3A_855 = arith.addi %add3A_854, %mul3A_853 : i32
      %multiple_of3A_856 = tpu.assume_multiple %add3A_855, 8 : i32
      %dma_start3A_857 = arith.constant 0 : i32
      %dma_start3A_858 = tpu.memref_slice %arg5[%select_n3A_627, %dma_start3A_857, %multiple_of3A_851] : memref<2x8x3968xf32, #tpu.memory_space<vmem>> -> memref<1x8x2048xf32, #tpu.memory_space<vmem>>
      %dma_start3A_859 = tpu.memref_squeeze %dma_start3A_858 : memref<1x8x2048xf32, #tpu.memory_space<vmem>> -> memref<8x2048xf32, #tpu.memory_space<vmem>>
      %dma_start3A_860 = arith.constant 0 : i32
      %dma_start3A_861 = tpu.memref_slice %arg3[%select_n3A, %multiple_of3A_856, %dma_start3A_860] : memref<16x2048x2048xf32, #tpu.memory_space<hbm>> -> memref<1x8x2048xf32, #tpu.memory_space<hbm>>
      %dma_start3A_862 = tpu.memref_squeeze %dma_start3A_861 : memref<1x8x2048xf32, #tpu.memory_space<hbm>> -> memref<8x2048xf32, #tpu.memory_space<hbm>>
      %dma_start3A_863 = arith.constant 0 : i32
      %dma_start3A_864 = tpu.memref_slice %arg3[%select_n3A, %multiple_of3A_856, %dma_start3A_863] : memref<16x2048x2048xf32, #tpu.memory_space<hbm>> -> memref<1x8x2048xf32, #tpu.memory_space<hbm>>
      %dma_start3A_865 = tpu.memref_squeeze %dma_start3A_864 : memref<1x8x2048xf32, #tpu.memory_space<hbm>> -> memref<8x2048xf32, #tpu.memory_space<hbm>>
      %dma_start3A_866 = arith.constant 0 : i32
      %dma_start3A_867 = tpu.memref_slice %arg5[%select_n3A_627, %dma_start3A_866, %multiple_of3A_851] : memref<2x8x3968xf32, #tpu.memory_space<vmem>> -> memref<1x8x2048xf32, #tpu.memory_space<vmem>>
      %dma_start3A_868 = tpu.memref_squeeze %dma_start3A_867 : memref<1x8x2048xf32, #tpu.memory_space<vmem>> -> memref<8x2048xf32, #tpu.memory_space<vmem>>
      tpu.enqueue_dma source(%dma_start3A_868 : memref<8x2048xf32, #tpu.memory_space<vmem>>) target(%dma_start3A_865 : memref<8x2048xf32, #tpu.memory_space<hbm>>) target_semaphore(%arg6 : memref<!tpu.dma_semaphore, #tpu.memory_space<semaphore_mem>>)
      %multiple_of3A_869 = arith.constant 384 : i32
      %multiple_of3A_870 = tpu.assume_multiple %multiple_of3A_869, 128 : i32
      %mul3A_871 = arith.constant 8 : i32
      %mul3A_872 = arith.muli %mul3A_871, %add3A_630 : i32
      %add3A_873 = arith.constant 1536 : i32
      %add3A_874 = arith.addi %add3A_873, %mul3A_872 : i32
      %multiple_of3A_875 = tpu.assume_multiple %add3A_874, 8 : i32
      %dma_start3A_876 = arith.constant 0 : i32
      %dma_start3A_877 = tpu.memref_slice %arg5[%select_n3A_627, %dma_start3A_876, %multiple_of3A_870] : memref<2x8x3968xf32, #tpu.memory_space<vmem>> -> memref<1x8x2048xf32, #tpu.memory_space<vmem>>
      %dma_start3A_878 = tpu.memref_squeeze %dma_start3A_877 : memref<1x8x2048xf32, #tpu.memory_space<vmem>> -> memref<8x2048xf32, #tpu.memory_space<vmem>>
      %dma_start3A_879 = arith.constant 0 : i32
      %dma_start3A_880 = tpu.memref_slice %arg3[%select_n3A, %multiple_of3A_875, %dma_start3A_879] : memref<16x2048x2048xf32, #tpu.memory_space<hbm>> -> memref<1x8x2048xf32, #tpu.memory_space<hbm>>
      %dma_start3A_881 = tpu.memref_squeeze %dma_start3A_880 : memref<1x8x2048xf32, #tpu.memory_space<hbm>> -> memref<8x2048xf32, #tpu.memory_space<hbm>>
      %dma_start3A_882 = arith.constant 0 : i32
      %dma_start3A_883 = tpu.memref_slice %arg3[%select_n3A, %multiple_of3A_875, %dma_start3A_882] : memref<16x2048x2048xf32, #tpu.memory_space<hbm>> -> memref<1x8x2048xf32, #tpu.memory_space<hbm>>
      %dma_start3A_884 = tpu.memref_squeeze %dma_start3A_883 : memref<1x8x2048xf32, #tpu.memory_space<hbm>> -> memref<8x2048xf32, #tpu.memory_space<hbm>>
      %dma_start3A_885 = arith.constant 0 : i32
      %dma_start3A_886 = tpu.memref_slice %arg5[%select_n3A_627, %dma_start3A_885, %multiple_of3A_870] : memref<2x8x3968xf32, #tpu.memory_space<vmem>> -> memref<1x8x2048xf32, #tpu.memory_space<vmem>>
      %dma_start3A_887 = tpu.memref_squeeze %dma_start3A_886 : memref<1x8x2048xf32, #tpu.memory_space<vmem>> -> memref<8x2048xf32, #tpu.memory_space<vmem>>
      tpu.enqueue_dma source(%dma_start3A_887 : memref<8x2048xf32, #tpu.memory_space<vmem>>) target(%dma_start3A_884 : memref<8x2048xf32, #tpu.memory_space<hbm>>) target_semaphore(%arg6 : memref<!tpu.dma_semaphore, #tpu.memory_space<semaphore_mem>>)
      %multiple_of3A_888 = arith.constant 256 : i32
      %multiple_of3A_889 = tpu.assume_multiple %multiple_of3A_888, 128 : i32
      %mul3A_890 = arith.constant 8 : i32
      %mul3A_891 = arith.muli %mul3A_890, %add3A_630 : i32
      %add3A_892 = arith.constant 1664 : i32
      %add3A_893 = arith.addi %add3A_892, %mul3A_891 : i32
      %multiple_of3A_894 = tpu.assume_multiple %add3A_893, 8 : i32
      %dma_start3A_895 = arith.constant 0 : i32
      %dma_start3A_896 = tpu.memref_slice %arg5[%select_n3A_627, %dma_start3A_895, %multiple_of3A_889] : memref<2x8x3968xf32, #tpu.memory_space<vmem>> -> memref<1x8x2048xf32, #tpu.memory_space<vmem>>
      %dma_start3A_897 = tpu.memref_squeeze %dma_start3A_896 : memref<1x8x2048xf32, #tpu.memory_space<vmem>> -> memref<8x2048xf32, #tpu.memory_space<vmem>>
      %dma_start3A_898 = arith.constant 0 : i32
      %dma_start3A_899 = tpu.memref_slice %arg3[%select_n3A, %multiple_of3A_894, %dma_start3A_898] : memref<16x2048x2048xf32, #tpu.memory_space<hbm>> -> memref<1x8x2048xf32, #tpu.memory_space<hbm>>
      %dma_start3A_900 = tpu.memref_squeeze %dma_start3A_899 : memref<1x8x2048xf32, #tpu.memory_space<hbm>> -> memref<8x2048xf32, #tpu.memory_space<hbm>>
      %dma_start3A_901 = arith.constant 0 : i32
      %dma_start3A_902 = tpu.memref_slice %arg3[%select_n3A, %multiple_of3A_894, %dma_start3A_901] : memref<16x2048x2048xf32, #tpu.memory_space<hbm>> -> memref<1x8x2048xf32, #tpu.memory_space<hbm>>
      %dma_start3A_903 = tpu.memref_squeeze %dma_start3A_902 : memref<1x8x2048xf32, #tpu.memory_space<hbm>> -> memref<8x2048xf32, #tpu.memory_space<hbm>>
      %dma_start3A_904 = arith.constant 0 : i32
      %dma_start3A_905 = tpu.memref_slice %arg5[%select_n3A_627, %dma_start3A_904, %multiple_of3A_889] : memref<2x8x3968xf32, #tpu.memory_space<vmem>> -> memref<1x8x2048xf32, #tpu.memory_space<vmem>>
      %dma_start3A_906 = tpu.memref_squeeze %dma_start3A_905 : memref<1x8x2048xf32, #tpu.memory_space<vmem>> -> memref<8x2048xf32, #tpu.memory_space<vmem>>
      tpu.enqueue_dma source(%dma_start3A_906 : memref<8x2048xf32, #tpu.memory_space<vmem>>) target(%dma_start3A_903 : memref<8x2048xf32, #tpu.memory_space<hbm>>) target_semaphore(%arg6 : memref<!tpu.dma_semaphore, #tpu.memory_space<semaphore_mem>>)
      %multiple_of3A_907 = arith.constant 128 : i32
      %multiple_of3A_908 = tpu.assume_multiple %multiple_of3A_907, 128 : i32
      %mul3A_909 = arith.constant 8 : i32
      %mul3A_910 = arith.muli %mul3A_909, %add3A_630 : i32
      %add3A_911 = arith.constant 1792 : i32
      %add3A_912 = arith.addi %add3A_911, %mul3A_910 : i32
      %multiple_of3A_913 = tpu.assume_multiple %add3A_912, 8 : i32
      %dma_start3A_914 = arith.constant 0 : i32
      %dma_start3A_915 = tpu.memref_slice %arg5[%select_n3A_627, %dma_start3A_914, %multiple_of3A_908] : memref<2x8x3968xf32, #tpu.memory_space<vmem>> -> memref<1x8x2048xf32, #tpu.memory_space<vmem>>
      %dma_start3A_916 = tpu.memref_squeeze %dma_start3A_915 : memref<1x8x2048xf32, #tpu.memory_space<vmem>> -> memref<8x2048xf32, #tpu.memory_space<vmem>>
      %dma_start3A_917 = arith.constant 0 : i32
      %dma_start3A_918 = tpu.memref_slice %arg3[%select_n3A, %multiple_of3A_913, %dma_start3A_917] : memref<16x2048x2048xf32, #tpu.memory_space<hbm>> -> memref<1x8x2048xf32, #tpu.memory_space<hbm>>
      %dma_start3A_919 = tpu.memref_squeeze %dma_start3A_918 : memref<1x8x2048xf32, #tpu.memory_space<hbm>> -> memref<8x2048xf32, #tpu.memory_space<hbm>>
      %dma_start3A_920 = arith.constant 0 : i32
      %dma_start3A_921 = tpu.memref_slice %arg3[%select_n3A, %multiple_of3A_913, %dma_start3A_920] : memref<16x2048x2048xf32, #tpu.memory_space<hbm>> -> memref<1x8x2048xf32, #tpu.memory_space<hbm>>
      %dma_start3A_922 = tpu.memref_squeeze %dma_start3A_921 : memref<1x8x2048xf32, #tpu.memory_space<hbm>> -> memref<8x2048xf32, #tpu.memory_space<hbm>>
      %dma_start3A_923 = arith.constant 0 : i32
      %dma_start3A_924 = tpu.memref_slice %arg5[%select_n3A_627, %dma_start3A_923, %multiple_of3A_908] : memref<2x8x3968xf32, #tpu.memory_space<vmem>> -> memref<1x8x2048xf32, #tpu.memory_space<vmem>>
      %dma_start3A_925 = tpu.memref_squeeze %dma_start3A_924 : memref<1x8x2048xf32, #tpu.memory_space<vmem>> -> memref<8x2048xf32, #tpu.memory_space<vmem>>
      tpu.enqueue_dma source(%dma_start3A_925 : memref<8x2048xf32, #tpu.memory_space<vmem>>) target(%dma_start3A_922 : memref<8x2048xf32, #tpu.memory_space<hbm>>) target_semaphore(%arg6 : memref<!tpu.dma_semaphore, #tpu.memory_space<semaphore_mem>>)
      %multiple_of3A_926 = arith.constant 0 : i32
      %multiple_of3A_927 = tpu.assume_multiple %multiple_of3A_926, 128 : i32
      %mul3A_928 = arith.constant 8 : i32
      %mul3A_929 = arith.muli %mul3A_928, %add3A_630 : i32
      %add3A_930 = arith.constant 1920 : i32
      %add3A_931 = arith.addi %add3A_930, %mul3A_929 : i32
      %multiple_of3A_932 = tpu.assume_multiple %add3A_931, 8 : i32
      %dma_start3A_933 = arith.constant 0 : i32
      %dma_start3A_934 = tpu.memref_slice %arg5[%select_n3A_627, %dma_start3A_933, %multiple_of3A_927] : memref<2x8x3968xf32, #tpu.memory_space<vmem>> -> memref<1x8x2048xf32, #tpu.memory_space<vmem>>
      %dma_start3A_935 = tpu.memref_squeeze %dma_start3A_934 : memref<1x8x2048xf32, #tpu.memory_space<vmem>> -> memref<8x2048xf32, #tpu.memory_space<vmem>>
      %dma_start3A_936 = arith.constant 0 : i32
      %dma_start3A_937 = tpu.memref_slice %arg3[%select_n3A, %multiple_of3A_932, %dma_start3A_936] : memref<16x2048x2048xf32, #tpu.memory_space<hbm>> -> memref<1x8x2048xf32, #tpu.memory_space<hbm>>
      %dma_start3A_938 = tpu.memref_squeeze %dma_start3A_937 : memref<1x8x2048xf32, #tpu.memory_space<hbm>> -> memref<8x2048xf32, #tpu.memory_space<hbm>>
      %dma_start3A_939 = arith.constant 0 : i32
      %dma_start3A_940 = tpu.memref_slice %arg3[%select_n3A, %multiple_of3A_932, %dma_start3A_939] : memref<16x2048x2048xf32, #tpu.memory_space<hbm>> -> memref<1x8x2048xf32, #tpu.memory_space<hbm>>
      %dma_start3A_941 = tpu.memref_squeeze %dma_start3A_940 : memref<1x8x2048xf32, #tpu.memory_space<hbm>> -> memref<8x2048xf32, #tpu.memory_space<hbm>>
      %dma_start3A_942 = arith.constant 0 : i32
      %dma_start3A_943 = tpu.memref_slice %arg5[%select_n3A_627, %dma_start3A_942, %multiple_of3A_927] : memref<2x8x3968xf32, #tpu.memory_space<vmem>> -> memref<1x8x2048xf32, #tpu.memory_space<vmem>>
      %dma_start3A_944 = tpu.memref_squeeze %dma_start3A_943 : memref<1x8x2048xf32, #tpu.memory_space<vmem>> -> memref<8x2048xf32, #tpu.memory_space<vmem>>
      tpu.enqueue_dma source(%dma_start3A_944 : memref<8x2048xf32, #tpu.memory_space<vmem>>) target(%dma_start3A_941 : memref<8x2048xf32, #tpu.memory_space<hbm>>) target_semaphore(%arg6 : memref<!tpu.dma_semaphore, #tpu.memory_space<semaphore_mem>>)
    }
    %scan3A_35 = arith.constant 8 : i32
    %dma_wait3A = arith.constant 0 : i32
    %dma_wait3A_36 = arith.constant 0 : i32
    %dma_wait3A_37 = arith.constant 0 : i32
    %dma_wait3A_38 = arith.constant 0 : i32
    %dma_wait3A_39 = tpu.memref_slice %arg5[%dma_wait3A, %dma_wait3A_37, %dma_wait3A_38] : memref<2x8x3968xf32, #tpu.memory_space<vmem>> -> memref<1x8x2048xf32, #tpu.memory_space<vmem>>
    %dma_wait3A_40 = tpu.memref_squeeze %dma_wait3A_39 : memref<1x8x2048xf32, #tpu.memory_space<vmem>> -> memref<8x2048xf32, #tpu.memory_space<vmem>>
    %dma_wait3A_41 = arith.constant 0 : i32
    %dma_wait3A_42 = arith.constant 0 : i32
    %dma_wait3A_43 = tpu.memref_slice %arg3[%dma_wait3A_36, %dma_wait3A_41, %dma_wait3A_42] : memref<16x2048x2048xf32, #tpu.memory_space<hbm>> -> memref<1x8x2048xf32, #tpu.memory_space<hbm>>
    %dma_wait3A_44 = tpu.memref_squeeze %dma_wait3A_43 : memref<1x8x2048xf32, #tpu.memory_space<hbm>> -> memref<8x2048xf32, #tpu.memory_space<hbm>>
    %dma_wait3A_45 = arith.constant 0 : i32
    %dma_wait3A_46 = arith.constant 0 : i32
    %dma_wait3A_47 = tpu.memref_slice %arg3[%dma_wait3A_36, %dma_wait3A_45, %dma_wait3A_46] : memref<16x2048x2048xf32, #tpu.memory_space<hbm>> -> memref<1x8x2048xf32, #tpu.memory_space<hbm>>
    %dma_wait3A_48 = tpu.memref_squeeze %dma_wait3A_47 : memref<1x8x2048xf32, #tpu.memory_space<hbm>> -> memref<8x2048xf32, #tpu.memory_space<hbm>>
    %dma_wait3A_49 = arith.constant 0 : i32
    %dma_wait3A_50 = arith.constant 0 : i32
    %dma_wait3A_51 = tpu.memref_slice %arg5[%dma_wait3A, %dma_wait3A_49, %dma_wait3A_50] : memref<2x8x3968xf32, #tpu.memory_space<vmem>> -> memref<1x8x2048xf32, #tpu.memory_space<vmem>>
    %dma_wait3A_52 = tpu.memref_squeeze %dma_wait3A_51 : memref<1x8x2048xf32, #tpu.memory_space<vmem>> -> memref<8x2048xf32, #tpu.memory_space<vmem>>
    tpu.wait_dma2 semaphore(%arg6 : memref<!tpu.dma_semaphore, #tpu.memory_space<semaphore_mem>>) src(%dma_wait3A_52 : memref<8x2048xf32, #tpu.memory_space<vmem>>) dst(%dma_wait3A_48 : memref<8x2048xf32, #tpu.memory_space<hbm>>)
    %dma_wait3A_53 = arith.constant 0 : i32
    %dma_wait3A_54 = arith.constant 0 : i32
    %dma_wait3A_55 = arith.constant 0 : i32
    %dma_wait3A_56 = arith.constant 0 : i32
    %dma_wait3A_57 = tpu.memref_slice %arg5[%dma_wait3A_53, %dma_wait3A_55, %dma_wait3A_56] : memref<2x8x3968xf32, #tpu.memory_space<vmem>> -> memref<1x8x2048xf32, #tpu.memory_space<vmem>>
    %dma_wait3A_58 = tpu.memref_squeeze %dma_wait3A_57 : memref<1x8x2048xf32, #tpu.memory_space<vmem>> -> memref<8x2048xf32, #tpu.memory_space<vmem>>
    %dma_wait3A_59 = arith.constant 0 : i32
    %dma_wait3A_60 = arith.constant 0 : i32
    %dma_wait3A_61 = tpu.memref_slice %arg3[%dma_wait3A_54, %dma_wait3A_59, %dma_wait3A_60] : memref<16x2048x2048xf32, #tpu.memory_space<hbm>> -> memref<1x8x2048xf32, #tpu.memory_space<hbm>>
    %dma_wait3A_62 = tpu.memref_squeeze %dma_wait3A_61 : memref<1x8x2048xf32, #tpu.memory_space<hbm>> -> memref<8x2048xf32, #tpu.memory_space<hbm>>
    %dma_wait3A_63 = arith.constant 0 : i32
    %dma_wait3A_64 = arith.constant 0 : i32
    %dma_wait3A_65 = tpu.memref_slice %arg3[%dma_wait3A_54, %dma_wait3A_63, %dma_wait3A_64] : memref<16x2048x2048xf32, #tpu.memory_space<hbm>> -> memref<1x8x2048xf32, #tpu.memory_space<hbm>>
    %dma_wait3A_66 = tpu.memref_squeeze %dma_wait3A_65 : memref<1x8x2048xf32, #tpu.memory_space<hbm>> -> memref<8x2048xf32, #tpu.memory_space<hbm>>
    %dma_wait3A_67 = arith.constant 0 : i32
    %dma_wait3A_68 = arith.constant 0 : i32
    %dma_wait3A_69 = tpu.memref_slice %arg5[%dma_wait3A_53, %dma_wait3A_67, %dma_wait3A_68] : memref<2x8x3968xf32, #tpu.memory_space<vmem>> -> memref<1x8x2048xf32, #tpu.memory_space<vmem>>
    %dma_wait3A_70 = tpu.memref_squeeze %dma_wait3A_69 : memref<1x8x2048xf32, #tpu.memory_space<vmem>> -> memref<8x2048xf32, #tpu.memory_space<vmem>>
    tpu.wait_dma2 semaphore(%arg6 : memref<!tpu.dma_semaphore, #tpu.memory_space<semaphore_mem>>) src(%dma_wait3A_70 : memref<8x2048xf32, #tpu.memory_space<vmem>>) dst(%dma_wait3A_66 : memref<8x2048xf32, #tpu.memory_space<hbm>>)
    %dma_wait3A_71 = arith.constant 0 : i32
    %dma_wait3A_72 = arith.constant 0 : i32
    %dma_wait3A_73 = arith.constant 0 : i32
    %dma_wait3A_74 = arith.constant 0 : i32
    %dma_wait3A_75 = tpu.memref_slice %arg5[%dma_wait3A_71, %dma_wait3A_73, %dma_wait3A_74] : memref<2x8x3968xf32, #tpu.memory_space<vmem>> -> memref<1x8x2048xf32, #tpu.memory_space<vmem>>
    %dma_wait3A_76 = tpu.memref_squeeze %dma_wait3A_75 : memref<1x8x2048xf32, #tpu.memory_space<vmem>> -> memref<8x2048xf32, #tpu.memory_space<vmem>>
    %dma_wait3A_77 = arith.constant 0 : i32
    %dma_wait3A_78 = arith.constant 0 : i32
    %dma_wait3A_79 = tpu.memref_slice %arg3[%dma_wait3A_72, %dma_wait3A_77, %dma_wait3A_78] : memref<16x2048x2048xf32, #tpu.memory_space<hbm>> -> memref<1x8x2048xf32, #tpu.memory_space<hbm>>
    %dma_wait3A_80 = tpu.memref_squeeze %dma_wait3A_79 : memref<1x8x2048xf32, #tpu.memory_space<hbm>> -> memref<8x2048xf32, #tpu.memory_space<hbm>>
    %dma_wait3A_81 = arith.constant 0 : i32
    %dma_wait3A_82 = arith.constant 0 : i32
    %dma_wait3A_83 = tpu.memref_slice %arg3[%dma_wait3A_72, %dma_wait3A_81, %dma_wait3A_82] : memref<16x2048x2048xf32, #tpu.memory_space<hbm>> -> memref<1x8x2048xf32, #tpu.memory_space<hbm>>
    %dma_wait3A_84 = tpu.memref_squeeze %dma_wait3A_83 : memref<1x8x2048xf32, #tpu.memory_space<hbm>> -> memref<8x2048xf32, #tpu.memory_space<hbm>>
    %dma_wait3A_85 = arith.constant 0 : i32
    %dma_wait3A_86 = arith.constant 0 : i32
    %dma_wait3A_87 = tpu.memref_slice %arg5[%dma_wait3A_71, %dma_wait3A_85, %dma_wait3A_86] : memref<2x8x3968xf32, #tpu.memory_space<vmem>> -> memref<1x8x2048xf32, #tpu.memory_space<vmem>>
    %dma_wait3A_88 = tpu.memref_squeeze %dma_wait3A_87 : memref<1x8x2048xf32, #tpu.memory_space<vmem>> -> memref<8x2048xf32, #tpu.memory_space<vmem>>
    tpu.wait_dma2 semaphore(%arg6 : memref<!tpu.dma_semaphore, #tpu.memory_space<semaphore_mem>>) src(%dma_wait3A_88 : memref<8x2048xf32, #tpu.memory_space<vmem>>) dst(%dma_wait3A_84 : memref<8x2048xf32, #tpu.memory_space<hbm>>)
    %dma_wait3A_89 = arith.constant 0 : i32
    %dma_wait3A_90 = arith.constant 0 : i32
    %dma_wait3A_91 = arith.constant 0 : i32
    %dma_wait3A_92 = arith.constant 0 : i32
    %dma_wait3A_93 = tpu.memref_slice %arg5[%dma_wait3A_89, %dma_wait3A_91, %dma_wait3A_92] : memref<2x8x3968xf32, #tpu.memory_space<vmem>> -> memref<1x8x2048xf32, #tpu.memory_space<vmem>>
    %dma_wait3A_94 = tpu.memref_squeeze %dma_wait3A_93 : memref<1x8x2048xf32, #tpu.memory_space<vmem>> -> memref<8x2048xf32, #tpu.memory_space<vmem>>
    %dma_wait3A_95 = arith.constant 0 : i32
    %dma_wait3A_96 = arith.constant 0 : i32
    %dma_wait3A_97 = tpu.memref_slice %arg3[%dma_wait3A_90, %dma_wait3A_95, %dma_wait3A_96] : memref<16x2048x2048xf32, #tpu.memory_space<hbm>> -> memref<1x8x2048xf32, #tpu.memory_space<hbm>>
    %dma_wait3A_98 = tpu.memref_squeeze %dma_wait3A_97 : memref<1x8x2048xf32, #tpu.memory_space<hbm>> -> memref<8x2048xf32, #tpu.memory_space<hbm>>
    %dma_wait3A_99 = arith.constant 0 : i32
    %dma_wait3A_100 = arith.constant 0 : i32
    %dma_wait3A_101 = tpu.memref_slice %arg3[%dma_wait3A_90, %dma_wait3A_99, %dma_wait3A_100] : memref<16x2048x2048xf32, #tpu.memory_space<hbm>> -> memref<1x8x2048xf32, #tpu.memory_space<hbm>>
    %dma_wait3A_102 = tpu.memref_squeeze %dma_wait3A_101 : memref<1x8x2048xf32, #tpu.memory_space<hbm>> -> memref<8x2048xf32, #tpu.memory_space<hbm>>
    %dma_wait3A_103 = arith.constant 0 : i32
    %dma_wait3A_104 = arith.constant 0 : i32
    %dma_wait3A_105 = tpu.memref_slice %arg5[%dma_wait3A_89, %dma_wait3A_103, %dma_wait3A_104] : memref<2x8x3968xf32, #tpu.memory_space<vmem>> -> memref<1x8x2048xf32, #tpu.memory_space<vmem>>
    %dma_wait3A_106 = tpu.memref_squeeze %dma_wait3A_105 : memref<1x8x2048xf32, #tpu.memory_space<vmem>> -> memref<8x2048xf32, #tpu.memory_space<vmem>>
    tpu.wait_dma2 semaphore(%arg6 : memref<!tpu.dma_semaphore, #tpu.memory_space<semaphore_mem>>) src(%dma_wait3A_106 : memref<8x2048xf32, #tpu.memory_space<vmem>>) dst(%dma_wait3A_102 : memref<8x2048xf32, #tpu.memory_space<hbm>>)
    %dma_wait3A_107 = arith.constant 0 : i32
    %dma_wait3A_108 = arith.constant 0 : i32
    %dma_wait3A_109 = arith.constant 0 : i32
    %dma_wait3A_110 = arith.constant 0 : i32
    %dma_wait3A_111 = tpu.memref_slice %arg5[%dma_wait3A_107, %dma_wait3A_109, %dma_wait3A_110] : memref<2x8x3968xf32, #tpu.memory_space<vmem>> -> memref<1x8x2048xf32, #tpu.memory_space<vmem>>
    %dma_wait3A_112 = tpu.memref_squeeze %dma_wait3A_111 : memref<1x8x2048xf32, #tpu.memory_space<vmem>> -> memref<8x2048xf32, #tpu.memory_space<vmem>>
    %dma_wait3A_113 = arith.constant 0 : i32
    %dma_wait3A_114 = arith.constant 0 : i32
    %dma_wait3A_115 = tpu.memref_slice %arg3[%dma_wait3A_108, %dma_wait3A_113, %dma_wait3A_114] : memref<16x2048x2048xf32, #tpu.memory_space<hbm>> -> memref<1x8x2048xf32, #tpu.memory_space<hbm>>
    %dma_wait3A_116 = tpu.memref_squeeze %dma_wait3A_115 : memref<1x8x2048xf32, #tpu.memory_space<hbm>> -> memref<8x2048xf32, #tpu.memory_space<hbm>>
    %dma_wait3A_117 = arith.constant 0 : i32
    %dma_wait3A_118 = arith.constant 0 : i32
    %dma_wait3A_119 = tpu.memref_slice %arg3[%dma_wait3A_108, %dma_wait3A_117, %dma_wait3A_118] : memref<16x2048x2048xf32, #tpu.memory_space<hbm>> -> memref<1x8x2048xf32, #tpu.memory_space<hbm>>
    %dma_wait3A_120 = tpu.memref_squeeze %dma_wait3A_119 : memref<1x8x2048xf32, #tpu.memory_space<hbm>> -> memref<8x2048xf32, #tpu.memory_space<hbm>>
    %dma_wait3A_121 = arith.constant 0 : i32
    %dma_wait3A_122 = arith.constant 0 : i32
    %dma_wait3A_123 = tpu.memref_slice %arg5[%dma_wait3A_107, %dma_wait3A_121, %dma_wait3A_122] : memref<2x8x3968xf32, #tpu.memory_space<vmem>> -> memref<1x8x2048xf32, #tpu.memory_space<vmem>>
    %dma_wait3A_124 = tpu.memref_squeeze %dma_wait3A_123 : memref<1x8x2048xf32, #tpu.memory_space<vmem>> -> memref<8x2048xf32, #tpu.memory_space<vmem>>
    tpu.wait_dma2 semaphore(%arg6 : memref<!tpu.dma_semaphore, #tpu.memory_space<semaphore_mem>>) src(%dma_wait3A_124 : memref<8x2048xf32, #tpu.memory_space<vmem>>) dst(%dma_wait3A_120 : memref<8x2048xf32, #tpu.memory_space<hbm>>)
    %dma_wait3A_125 = arith.constant 0 : i32
    %dma_wait3A_126 = arith.constant 0 : i32
    %dma_wait3A_127 = arith.constant 0 : i32
    %dma_wait3A_128 = arith.constant 0 : i32
    %dma_wait3A_129 = tpu.memref_slice %arg5[%dma_wait3A_125, %dma_wait3A_127, %dma_wait3A_128] : memref<2x8x3968xf32, #tpu.memory_space<vmem>> -> memref<1x8x2048xf32, #tpu.memory_space<vmem>>
    %dma_wait3A_130 = tpu.memref_squeeze %dma_wait3A_129 : memref<1x8x2048xf32, #tpu.memory_space<vmem>> -> memref<8x2048xf32, #tpu.memory_space<vmem>>
    %dma_wait3A_131 = arith.constant 0 : i32
    %dma_wait3A_132 = arith.constant 0 : i32
    %dma_wait3A_133 = tpu.memref_slice %arg3[%dma_wait3A_126, %dma_wait3A_131, %dma_wait3A_132] : memref<16x2048x2048xf32, #tpu.memory_space<hbm>> -> memref<1x8x2048xf32, #tpu.memory_space<hbm>>
    %dma_wait3A_134 = tpu.memref_squeeze %dma_wait3A_133 : memref<1x8x2048xf32, #tpu.memory_space<hbm>> -> memref<8x2048xf32, #tpu.memory_space<hbm>>
    %dma_wait3A_135 = arith.constant 0 : i32
    %dma_wait3A_136 = arith.constant 0 : i32
    %dma_wait3A_137 = tpu.memref_slice %arg3[%dma_wait3A_126, %dma_wait3A_135, %dma_wait3A_136] : memref<16x2048x2048xf32, #tpu.memory_space<hbm>> -> memref<1x8x2048xf32, #tpu.memory_space<hbm>>
    %dma_wait3A_138 = tpu.memref_squeeze %dma_wait3A_137 : memref<1x8x2048xf32, #tpu.memory_space<hbm>> -> memref<8x2048xf32, #tpu.memory_space<hbm>>
    %dma_wait3A_139 = arith.constant 0 : i32
    %dma_wait3A_140 = arith.constant 0 : i32
    %dma_wait3A_141 = tpu.memref_slice %arg5[%dma_wait3A_125, %dma_wait3A_139, %dma_wait3A_140] : memref<2x8x3968xf32, #tpu.memory_space<vmem>> -> memref<1x8x2048xf32, #tpu.memory_space<vmem>>
    %dma_wait3A_142 = tpu.memref_squeeze %dma_wait3A_141 : memref<1x8x2048xf32, #tpu.memory_space<vmem>> -> memref<8x2048xf32, #tpu.memory_space<vmem>>
    tpu.wait_dma2 semaphore(%arg6 : memref<!tpu.dma_semaphore, #tpu.memory_space<semaphore_mem>>) src(%dma_wait3A_142 : memref<8x2048xf32, #tpu.memory_space<vmem>>) dst(%dma_wait3A_138 : memref<8x2048xf32, #tpu.memory_space<hbm>>)
    %dma_wait3A_143 = arith.constant 0 : i32
    %dma_wait3A_144 = arith.constant 0 : i32
    %dma_wait3A_145 = arith.constant 0 : i32
    %dma_wait3A_146 = arith.constant 0 : i32
    %dma_wait3A_147 = tpu.memref_slice %arg5[%dma_wait3A_143, %dma_wait3A_145, %dma_wait3A_146] : memref<2x8x3968xf32, #tpu.memory_space<vmem>> -> memref<1x8x2048xf32, #tpu.memory_space<vmem>>
    %dma_wait3A_148 = tpu.memref_squeeze %dma_wait3A_147 : memref<1x8x2048xf32, #tpu.memory_space<vmem>> -> memref<8x2048xf32, #tpu.memory_space<vmem>>
    %dma_wait3A_149 = arith.constant 0 : i32
    %dma_wait3A_150 = arith.constant 0 : i32
    %dma_wait3A_151 = tpu.memref_slice %arg3[%dma_wait3A_144, %dma_wait3A_149, %dma_wait3A_150] : memref<16x2048x2048xf32, #tpu.memory_space<hbm>> -> memref<1x8x2048xf32, #tpu.memory_space<hbm>>
    %dma_wait3A_152 = tpu.memref_squeeze %dma_wait3A_151 : memref<1x8x2048xf32, #tpu.memory_space<hbm>> -> memref<8x2048xf32, #tpu.memory_space<hbm>>
    %dma_wait3A_153 = arith.constant 0 : i32
    %dma_wait3A_154 = arith.constant 0 : i32
    %dma_wait3A_155 = tpu.memref_slice %arg3[%dma_wait3A_144, %dma_wait3A_153, %dma_wait3A_154] : memref<16x2048x2048xf32, #tpu.memory_space<hbm>> -> memref<1x8x2048xf32, #tpu.memory_space<hbm>>
    %dma_wait3A_156 = tpu.memref_squeeze %dma_wait3A_155 : memref<1x8x2048xf32, #tpu.memory_space<hbm>> -> memref<8x2048xf32, #tpu.memory_space<hbm>>
    %dma_wait3A_157 = arith.constant 0 : i32
    %dma_wait3A_158 = arith.constant 0 : i32
    %dma_wait3A_159 = tpu.memref_slice %arg5[%dma_wait3A_143, %dma_wait3A_157, %dma_wait3A_158] : memref<2x8x3968xf32, #tpu.memory_space<vmem>> -> memref<1x8x2048xf32, #tpu.memory_space<vmem>>
    %dma_wait3A_160 = tpu.memref_squeeze %dma_wait3A_159 : memref<1x8x2048xf32, #tpu.memory_space<vmem>> -> memref<8x2048xf32, #tpu.memory_space<vmem>>
    tpu.wait_dma2 semaphore(%arg6 : memref<!tpu.dma_semaphore, #tpu.memory_space<semaphore_mem>>) src(%dma_wait3A_160 : memref<8x2048xf32, #tpu.memory_space<vmem>>) dst(%dma_wait3A_156 : memref<8x2048xf32, #tpu.memory_space<hbm>>)
    %dma_wait3A_161 = arith.constant 0 : i32
    %dma_wait3A_162 = arith.constant 0 : i32
    %dma_wait3A_163 = arith.constant 0 : i32
    %dma_wait3A_164 = arith.constant 0 : i32
    %dma_wait3A_165 = tpu.memref_slice %arg5[%dma_wait3A_161, %dma_wait3A_163, %dma_wait3A_164] : memref<2x8x3968xf32, #tpu.memory_space<vmem>> -> memref<1x8x2048xf32, #tpu.memory_space<vmem>>
    %dma_wait3A_166 = tpu.memref_squeeze %dma_wait3A_165 : memref<1x8x2048xf32, #tpu.memory_space<vmem>> -> memref<8x2048xf32, #tpu.memory_space<vmem>>
    %dma_wait3A_167 = arith.constant 0 : i32
    %dma_wait3A_168 = arith.constant 0 : i32
    %dma_wait3A_169 = tpu.memref_slice %arg3[%dma_wait3A_162, %dma_wait3A_167, %dma_wait3A_168] : memref<16x2048x2048xf32, #tpu.memory_space<hbm>> -> memref<1x8x2048xf32, #tpu.memory_space<hbm>>
    %dma_wait3A_170 = tpu.memref_squeeze %dma_wait3A_169 : memref<1x8x2048xf32, #tpu.memory_space<hbm>> -> memref<8x2048xf32, #tpu.memory_space<hbm>>
    %dma_wait3A_171 = arith.constant 0 : i32
    %dma_wait3A_172 = arith.constant 0 : i32
    %dma_wait3A_173 = tpu.memref_slice %arg3[%dma_wait3A_162, %dma_wait3A_171, %dma_wait3A_172] : memref<16x2048x2048xf32, #tpu.memory_space<hbm>> -> memref<1x8x2048xf32, #tpu.memory_space<hbm>>
    %dma_wait3A_174 = tpu.memref_squeeze %dma_wait3A_173 : memref<1x8x2048xf32, #tpu.memory_space<hbm>> -> memref<8x2048xf32, #tpu.memory_space<hbm>>
    %dma_wait3A_175 = arith.constant 0 : i32
    %dma_wait3A_176 = arith.constant 0 : i32
    %dma_wait3A_177 = tpu.memref_slice %arg5[%dma_wait3A_161, %dma_wait3A_175, %dma_wait3A_176] : memref<2x8x3968xf32, #tpu.memory_space<vmem>> -> memref<1x8x2048xf32, #tpu.memory_space<vmem>>
    %dma_wait3A_178 = tpu.memref_squeeze %dma_wait3A_177 : memref<1x8x2048xf32, #tpu.memory_space<vmem>> -> memref<8x2048xf32, #tpu.memory_space<vmem>>
    tpu.wait_dma2 semaphore(%arg6 : memref<!tpu.dma_semaphore, #tpu.memory_space<semaphore_mem>>) src(%dma_wait3A_178 : memref<8x2048xf32, #tpu.memory_space<vmem>>) dst(%dma_wait3A_174 : memref<8x2048xf32, #tpu.memory_space<hbm>>)
    %dma_wait3A_179 = arith.constant 0 : i32
    %dma_wait3A_180 = arith.constant 0 : i32
    %dma_wait3A_181 = arith.constant 0 : i32
    %dma_wait3A_182 = arith.constant 0 : i32
    %dma_wait3A_183 = tpu.memref_slice %arg5[%dma_wait3A_179, %dma_wait3A_181, %dma_wait3A_182] : memref<2x8x3968xf32, #tpu.memory_space<vmem>> -> memref<1x8x2048xf32, #tpu.memory_space<vmem>>
    %dma_wait3A_184 = tpu.memref_squeeze %dma_wait3A_183 : memref<1x8x2048xf32, #tpu.memory_space<vmem>> -> memref<8x2048xf32, #tpu.memory_space<vmem>>
    %dma_wait3A_185 = arith.constant 0 : i32
    %dma_wait3A_186 = arith.constant 0 : i32
    %dma_wait3A_187 = tpu.memref_slice %arg3[%dma_wait3A_180, %dma_wait3A_185, %dma_wait3A_186] : memref<16x2048x2048xf32, #tpu.memory_space<hbm>> -> memref<1x8x2048xf32, #tpu.memory_space<hbm>>
    %dma_wait3A_188 = tpu.memref_squeeze %dma_wait3A_187 : memref<1x8x2048xf32, #tpu.memory_space<hbm>> -> memref<8x2048xf32, #tpu.memory_space<hbm>>
    %dma_wait3A_189 = arith.constant 0 : i32
    %dma_wait3A_190 = arith.constant 0 : i32
    %dma_wait3A_191 = tpu.memref_slice %arg3[%dma_wait3A_180, %dma_wait3A_189, %dma_wait3A_190] : memref<16x2048x2048xf32, #tpu.memory_space<hbm>> -> memref<1x8x2048xf32, #tpu.memory_space<hbm>>
    %dma_wait3A_192 = tpu.memref_squeeze %dma_wait3A_191 : memref<1x8x2048xf32, #tpu.memory_space<hbm>> -> memref<8x2048xf32, #tpu.memory_space<hbm>>
    %dma_wait3A_193 = arith.constant 0 : i32
    %dma_wait3A_194 = arith.constant 0 : i32
    %dma_wait3A_195 = tpu.memref_slice %arg5[%dma_wait3A_179, %dma_wait3A_193, %dma_wait3A_194] : memref<2x8x3968xf32, #tpu.memory_space<vmem>> -> memref<1x8x2048xf32, #tpu.memory_space<vmem>>
    %dma_wait3A_196 = tpu.memref_squeeze %dma_wait3A_195 : memref<1x8x2048xf32, #tpu.memory_space<vmem>> -> memref<8x2048xf32, #tpu.memory_space<vmem>>
    tpu.wait_dma2 semaphore(%arg6 : memref<!tpu.dma_semaphore, #tpu.memory_space<semaphore_mem>>) src(%dma_wait3A_196 : memref<8x2048xf32, #tpu.memory_space<vmem>>) dst(%dma_wait3A_192 : memref<8x2048xf32, #tpu.memory_space<hbm>>)
    %dma_wait3A_197 = arith.constant 0 : i32
    %dma_wait3A_198 = arith.constant 0 : i32
    %dma_wait3A_199 = arith.constant 0 : i32
    %dma_wait3A_200 = arith.constant 0 : i32
    %dma_wait3A_201 = tpu.memref_slice %arg5[%dma_wait3A_197, %dma_wait3A_199, %dma_wait3A_200] : memref<2x8x3968xf32, #tpu.memory_space<vmem>> -> memref<1x8x2048xf32, #tpu.memory_space<vmem>>
    %dma_wait3A_202 = tpu.memref_squeeze %dma_wait3A_201 : memref<1x8x2048xf32, #tpu.memory_space<vmem>> -> memref<8x2048xf32, #tpu.memory_space<vmem>>
    %dma_wait3A_203 = arith.constant 0 : i32
    %dma_wait3A_204 = arith.constant 0 : i32
    %dma_wait3A_205 = tpu.memref_slice %arg3[%dma_wait3A_198, %dma_wait3A_203, %dma_wait3A_204] : memref<16x2048x2048xf32, #tpu.memory_space<hbm>> -> memref<1x8x2048xf32, #tpu.memory_space<hbm>>
    %dma_wait3A_206 = tpu.memref_squeeze %dma_wait3A_205 : memref<1x8x2048xf32, #tpu.memory_space<hbm>> -> memref<8x2048xf32, #tpu.memory_space<hbm>>
    %dma_wait3A_207 = arith.constant 0 : i32
    %dma_wait3A_208 = arith.constant 0 : i32
    %dma_wait3A_209 = tpu.memref_slice %arg3[%dma_wait3A_198, %dma_wait3A_207, %dma_wait3A_208] : memref<16x2048x2048xf32, #tpu.memory_space<hbm>> -> memref<1x8x2048xf32, #tpu.memory_space<hbm>>
    %dma_wait3A_210 = tpu.memref_squeeze %dma_wait3A_209 : memref<1x8x2048xf32, #tpu.memory_space<hbm>> -> memref<8x2048xf32, #tpu.memory_space<hbm>>
    %dma_wait3A_211 = arith.constant 0 : i32
    %dma_wait3A_212 = arith.constant 0 : i32
    %dma_wait3A_213 = tpu.memref_slice %arg5[%dma_wait3A_197, %dma_wait3A_211, %dma_wait3A_212] : memref<2x8x3968xf32, #tpu.memory_space<vmem>> -> memref<1x8x2048xf32, #tpu.memory_space<vmem>>
    %dma_wait3A_214 = tpu.memref_squeeze %dma_wait3A_213 : memref<1x8x2048xf32, #tpu.memory_space<vmem>> -> memref<8x2048xf32, #tpu.memory_space<vmem>>
    tpu.wait_dma2 semaphore(%arg6 : memref<!tpu.dma_semaphore, #tpu.memory_space<semaphore_mem>>) src(%dma_wait3A_214 : memref<8x2048xf32, #tpu.memory_space<vmem>>) dst(%dma_wait3A_210 : memref<8x2048xf32, #tpu.memory_space<hbm>>)
    %dma_wait3A_215 = arith.constant 0 : i32
    %dma_wait3A_216 = arith.constant 0 : i32
    %dma_wait3A_217 = arith.constant 0 : i32
    %dma_wait3A_218 = arith.constant 0 : i32
    %dma_wait3A_219 = tpu.memref_slice %arg5[%dma_wait3A_215, %dma_wait3A_217, %dma_wait3A_218] : memref<2x8x3968xf32, #tpu.memory_space<vmem>> -> memref<1x8x2048xf32, #tpu.memory_space<vmem>>
    %dma_wait3A_220 = tpu.memref_squeeze %dma_wait3A_219 : memref<1x8x2048xf32, #tpu.memory_space<vmem>> -> memref<8x2048xf32, #tpu.memory_space<vmem>>
    %dma_wait3A_221 = arith.constant 0 : i32
    %dma_wait3A_222 = arith.constant 0 : i32
    %dma_wait3A_223 = tpu.memref_slice %arg3[%dma_wait3A_216, %dma_wait3A_221, %dma_wait3A_222] : memref<16x2048x2048xf32, #tpu.memory_space<hbm>> -> memref<1x8x2048xf32, #tpu.memory_space<hbm>>
    %dma_wait3A_224 = tpu.memref_squeeze %dma_wait3A_223 : memref<1x8x2048xf32, #tpu.memory_space<hbm>> -> memref<8x2048xf32, #tpu.memory_space<hbm>>
    %dma_wait3A_225 = arith.constant 0 : i32
    %dma_wait3A_226 = arith.constant 0 : i32
    %dma_wait3A_227 = tpu.memref_slice %arg3[%dma_wait3A_216, %dma_wait3A_225, %dma_wait3A_226] : memref<16x2048x2048xf32, #tpu.memory_space<hbm>> -> memref<1x8x2048xf32, #tpu.memory_space<hbm>>
    %dma_wait3A_228 = tpu.memref_squeeze %dma_wait3A_227 : memref<1x8x2048xf32, #tpu.memory_space<hbm>> -> memref<8x2048xf32, #tpu.memory_space<hbm>>
    %dma_wait3A_229 = arith.constant 0 : i32
    %dma_wait3A_230 = arith.constant 0 : i32
    %dma_wait3A_231 = tpu.memref_slice %arg5[%dma_wait3A_215, %dma_wait3A_229, %dma_wait3A_230] : memref<2x8x3968xf32, #tpu.memory_space<vmem>> -> memref<1x8x2048xf32, #tpu.memory_space<vmem>>
    %dma_wait3A_232 = tpu.memref_squeeze %dma_wait3A_231 : memref<1x8x2048xf32, #tpu.memory_space<vmem>> -> memref<8x2048xf32, #tpu.memory_space<vmem>>
    tpu.wait_dma2 semaphore(%arg6 : memref<!tpu.dma_semaphore, #tpu.memory_space<semaphore_mem>>) src(%dma_wait3A_232 : memref<8x2048xf32, #tpu.memory_space<vmem>>) dst(%dma_wait3A_228 : memref<8x2048xf32, #tpu.memory_space<hbm>>)
    %dma_wait3A_233 = arith.constant 0 : i32
    %dma_wait3A_234 = arith.constant 0 : i32
    %dma_wait3A_235 = arith.constant 0 : i32
    %dma_wait3A_236 = arith.constant 0 : i32
    %dma_wait3A_237 = tpu.memref_slice %arg5[%dma_wait3A_233, %dma_wait3A_235, %dma_wait3A_236] : memref<2x8x3968xf32, #tpu.memory_space<vmem>> -> memref<1x8x2048xf32, #tpu.memory_space<vmem>>
    %dma_wait3A_238 = tpu.memref_squeeze %dma_wait3A_237 : memref<1x8x2048xf32, #tpu.memory_space<vmem>> -> memref<8x2048xf32, #tpu.memory_space<vmem>>
    %dma_wait3A_239 = arith.constant 0 : i32
    %dma_wait3A_240 = arith.constant 0 : i32
    %dma_wait3A_241 = tpu.memref_slice %arg3[%dma_wait3A_234, %dma_wait3A_239, %dma_wait3A_240] : memref<16x2048x2048xf32, #tpu.memory_space<hbm>> -> memref<1x8x2048xf32, #tpu.memory_space<hbm>>
    %dma_wait3A_242 = tpu.memref_squeeze %dma_wait3A_241 : memref<1x8x2048xf32, #tpu.memory_space<hbm>> -> memref<8x2048xf32, #tpu.memory_space<hbm>>
    %dma_wait3A_243 = arith.constant 0 : i32
    %dma_wait3A_244 = arith.constant 0 : i32
    %dma_wait3A_245 = tpu.memref_slice %arg3[%dma_wait3A_234, %dma_wait3A_243, %dma_wait3A_244] : memref<16x2048x2048xf32, #tpu.memory_space<hbm>> -> memref<1x8x2048xf32, #tpu.memory_space<hbm>>
    %dma_wait3A_246 = tpu.memref_squeeze %dma_wait3A_245 : memref<1x8x2048xf32, #tpu.memory_space<hbm>> -> memref<8x2048xf32, #tpu.memory_space<hbm>>
    %dma_wait3A_247 = arith.constant 0 : i32
    %dma_wait3A_248 = arith.constant 0 : i32
    %dma_wait3A_249 = tpu.memref_slice %arg5[%dma_wait3A_233, %dma_wait3A_247, %dma_wait3A_248] : memref<2x8x3968xf32, #tpu.memory_space<vmem>> -> memref<1x8x2048xf32, #tpu.memory_space<vmem>>
    %dma_wait3A_250 = tpu.memref_squeeze %dma_wait3A_249 : memref<1x8x2048xf32, #tpu.memory_space<vmem>> -> memref<8x2048xf32, #tpu.memory_space<vmem>>
    tpu.wait_dma2 semaphore(%arg6 : memref<!tpu.dma_semaphore, #tpu.memory_space<semaphore_mem>>) src(%dma_wait3A_250 : memref<8x2048xf32, #tpu.memory_space<vmem>>) dst(%dma_wait3A_246 : memref<8x2048xf32, #tpu.memory_space<hbm>>)
    %dma_wait3A_251 = arith.constant 0 : i32
    %dma_wait3A_252 = arith.constant 0 : i32
    %dma_wait3A_253 = arith.constant 0 : i32
    %dma_wait3A_254 = arith.constant 0 : i32
    %dma_wait3A_255 = tpu.memref_slice %arg5[%dma_wait3A_251, %dma_wait3A_253, %dma_wait3A_254] : memref<2x8x3968xf32, #tpu.memory_space<vmem>> -> memref<1x8x2048xf32, #tpu.memory_space<vmem>>
    %dma_wait3A_256 = tpu.memref_squeeze %dma_wait3A_255 : memref<1x8x2048xf32, #tpu.memory_space<vmem>> -> memref<8x2048xf32, #tpu.memory_space<vmem>>
    %dma_wait3A_257 = arith.constant 0 : i32
    %dma_wait3A_258 = arith.constant 0 : i32
    %dma_wait3A_259 = tpu.memref_slice %arg3[%dma_wait3A_252, %dma_wait3A_257, %dma_wait3A_258] : memref<16x2048x2048xf32, #tpu.memory_space<hbm>> -> memref<1x8x2048xf32, #tpu.memory_space<hbm>>
    %dma_wait3A_260 = tpu.memref_squeeze %dma_wait3A_259 : memref<1x8x2048xf32, #tpu.memory_space<hbm>> -> memref<8x2048xf32, #tpu.memory_space<hbm>>
    %dma_wait3A_261 = arith.constant 0 : i32
    %dma_wait3A_262 = arith.constant 0 : i32
    %dma_wait3A_263 = tpu.memref_slice %arg3[%dma_wait3A_252, %dma_wait3A_261, %dma_wait3A_262] : memref<16x2048x2048xf32, #tpu.memory_space<hbm>> -> memref<1x8x2048xf32, #tpu.memory_space<hbm>>
    %dma_wait3A_264 = tpu.memref_squeeze %dma_wait3A_263 : memref<1x8x2048xf32, #tpu.memory_space<hbm>> -> memref<8x2048xf32, #tpu.memory_space<hbm>>
    %dma_wait3A_265 = arith.constant 0 : i32
    %dma_wait3A_266 = arith.constant 0 : i32
    %dma_wait3A_267 = tpu.memref_slice %arg5[%dma_wait3A_251, %dma_wait3A_265, %dma_wait3A_266] : memref<2x8x3968xf32, #tpu.memory_space<vmem>> -> memref<1x8x2048xf32, #tpu.memory_space<vmem>>
    %dma_wait3A_268 = tpu.memref_squeeze %dma_wait3A_267 : memref<1x8x2048xf32, #tpu.memory_space<vmem>> -> memref<8x2048xf32, #tpu.memory_space<vmem>>
    tpu.wait_dma2 semaphore(%arg6 : memref<!tpu.dma_semaphore, #tpu.memory_space<semaphore_mem>>) src(%dma_wait3A_268 : memref<8x2048xf32, #tpu.memory_space<vmem>>) dst(%dma_wait3A_264 : memref<8x2048xf32, #tpu.memory_space<hbm>>)
    %dma_wait3A_269 = arith.constant 0 : i32
    %dma_wait3A_270 = arith.constant 0 : i32
    %dma_wait3A_271 = arith.constant 0 : i32
    %dma_wait3A_272 = arith.constant 0 : i32
    %dma_wait3A_273 = tpu.memref_slice %arg5[%dma_wait3A_269, %dma_wait3A_271, %dma_wait3A_272] : memref<2x8x3968xf32, #tpu.memory_space<vmem>> -> memref<1x8x2048xf32, #tpu.memory_space<vmem>>
    %dma_wait3A_274 = tpu.memref_squeeze %dma_wait3A_273 : memref<1x8x2048xf32, #tpu.memory_space<vmem>> -> memref<8x2048xf32, #tpu.memory_space<vmem>>
    %dma_wait3A_275 = arith.constant 0 : i32
    %dma_wait3A_276 = arith.constant 0 : i32
    %dma_wait3A_277 = tpu.memref_slice %arg3[%dma_wait3A_270, %dma_wait3A_275, %dma_wait3A_276] : memref<16x2048x2048xf32, #tpu.memory_space<hbm>> -> memref<1x8x2048xf32, #tpu.memory_space<hbm>>
    %dma_wait3A_278 = tpu.memref_squeeze %dma_wait3A_277 : memref<1x8x2048xf32, #tpu.memory_space<hbm>> -> memref<8x2048xf32, #tpu.memory_space<hbm>>
    %dma_wait3A_279 = arith.constant 0 : i32
    %dma_wait3A_280 = arith.constant 0 : i32
    %dma_wait3A_281 = tpu.memref_slice %arg3[%dma_wait3A_270, %dma_wait3A_279, %dma_wait3A_280] : memref<16x2048x2048xf32, #tpu.memory_space<hbm>> -> memref<1x8x2048xf32, #tpu.memory_space<hbm>>
    %dma_wait3A_282 = tpu.memref_squeeze %dma_wait3A_281 : memref<1x8x2048xf32, #tpu.memory_space<hbm>> -> memref<8x2048xf32, #tpu.memory_space<hbm>>
    %dma_wait3A_283 = arith.constant 0 : i32
    %dma_wait3A_284 = arith.constant 0 : i32
    %dma_wait3A_285 = tpu.memref_slice %arg5[%dma_wait3A_269, %dma_wait3A_283, %dma_wait3A_284] : memref<2x8x3968xf32, #tpu.memory_space<vmem>> -> memref<1x8x2048xf32, #tpu.memory_space<vmem>>
    %dma_wait3A_286 = tpu.memref_squeeze %dma_wait3A_285 : memref<1x8x2048xf32, #tpu.memory_space<vmem>> -> memref<8x2048xf32, #tpu.memory_space<vmem>>
    tpu.wait_dma2 semaphore(%arg6 : memref<!tpu.dma_semaphore, #tpu.memory_space<semaphore_mem>>) src(%dma_wait3A_286 : memref<8x2048xf32, #tpu.memory_space<vmem>>) dst(%dma_wait3A_282 : memref<8x2048xf32, #tpu.memory_space<hbm>>)
    %dma_wait3A_287 = arith.constant 0 : i32
    %dma_wait3A_288 = arith.constant 0 : i32
    %dma_wait3A_289 = arith.constant 0 : i32
    %dma_wait3A_290 = arith.constant 0 : i32
    %dma_wait3A_291 = tpu.memref_slice %arg5[%dma_wait3A_287, %dma_wait3A_289, %dma_wait3A_290] : memref<2x8x3968xf32, #tpu.memory_space<vmem>> -> memref<1x8x2048xf32, #tpu.memory_space<vmem>>
    %dma_wait3A_292 = tpu.memref_squeeze %dma_wait3A_291 : memref<1x8x2048xf32, #tpu.memory_space<vmem>> -> memref<8x2048xf32, #tpu.memory_space<vmem>>
    %dma_wait3A_293 = arith.constant 0 : i32
    %dma_wait3A_294 = arith.constant 0 : i32
    %dma_wait3A_295 = tpu.memref_slice %arg3[%dma_wait3A_288, %dma_wait3A_293, %dma_wait3A_294] : memref<16x2048x2048xf32, #tpu.memory_space<hbm>> -> memref<1x8x2048xf32, #tpu.memory_space<hbm>>
    %dma_wait3A_296 = tpu.memref_squeeze %dma_wait3A_295 : memref<1x8x2048xf32, #tpu.memory_space<hbm>> -> memref<8x2048xf32, #tpu.memory_space<hbm>>
    %dma_wait3A_297 = arith.constant 0 : i32
    %dma_wait3A_298 = arith.constant 0 : i32
    %dma_wait3A_299 = tpu.memref_slice %arg3[%dma_wait3A_288, %dma_wait3A_297, %dma_wait3A_298] : memref<16x2048x2048xf32, #tpu.memory_space<hbm>> -> memref<1x8x2048xf32, #tpu.memory_space<hbm>>
    %dma_wait3A_300 = tpu.memref_squeeze %dma_wait3A_299 : memref<1x8x2048xf32, #tpu.memory_space<hbm>> -> memref<8x2048xf32, #tpu.memory_space<hbm>>
    %dma_wait3A_301 = arith.constant 0 : i32
    %dma_wait3A_302 = arith.constant 0 : i32
    %dma_wait3A_303 = tpu.memref_slice %arg5[%dma_wait3A_287, %dma_wait3A_301, %dma_wait3A_302] : memref<2x8x3968xf32, #tpu.memory_space<vmem>> -> memref<1x8x2048xf32, #tpu.memory_space<vmem>>
    %dma_wait3A_304 = tpu.memref_squeeze %dma_wait3A_303 : memref<1x8x2048xf32, #tpu.memory_space<vmem>> -> memref<8x2048xf32, #tpu.memory_space<vmem>>
    tpu.wait_dma2 semaphore(%arg6 : memref<!tpu.dma_semaphore, #tpu.memory_space<semaphore_mem>>) src(%dma_wait3A_304 : memref<8x2048xf32, #tpu.memory_space<vmem>>) dst(%dma_wait3A_300 : memref<8x2048xf32, #tpu.memory_space<hbm>>)
    %dma_wait3A_305 = arith.constant 0 : i32
    %dma_wait3A_306 = arith.constant 0 : i32
    %dma_wait3A_307 = arith.constant 0 : i32
    %dma_wait3A_308 = arith.constant 0 : i32
    %dma_wait3A_309 = tpu.memref_slice %arg5[%dma_wait3A_305, %dma_wait3A_307, %dma_wait3A_308] : memref<2x8x3968xf32, #tpu.memory_space<vmem>> -> memref<1x8x2048xf32, #tpu.memory_space<vmem>>
    %dma_wait3A_310 = tpu.memref_squeeze %dma_wait3A_309 : memref<1x8x2048xf32, #tpu.memory_space<vmem>> -> memref<8x2048xf32, #tpu.memory_space<vmem>>
    %dma_wait3A_311 = arith.constant 0 : i32
    %dma_wait3A_312 = arith.constant 0 : i32
    %dma_wait3A_313 = tpu.memref_slice %arg3[%dma_wait3A_306, %dma_wait3A_311, %dma_wait3A_312] : memref<16x2048x2048xf32, #tpu.memory_space<hbm>> -> memref<1x8x2048xf32, #tpu.memory_space<hbm>>
    %dma_wait3A_314 = tpu.memref_squeeze %dma_wait3A_313 : memref<1x8x2048xf32, #tpu.memory_space<hbm>> -> memref<8x2048xf32, #tpu.memory_space<hbm>>
    %dma_wait3A_315 = arith.constant 0 : i32
    %dma_wait3A_316 = arith.constant 0 : i32
    %dma_wait3A_317 = tpu.memref_slice %arg3[%dma_wait3A_306, %dma_wait3A_315, %dma_wait3A_316] : memref<16x2048x2048xf32, #tpu.memory_space<hbm>> -> memref<1x8x2048xf32, #tpu.memory_space<hbm>>
    %dma_wait3A_318 = tpu.memref_squeeze %dma_wait3A_317 : memref<1x8x2048xf32, #tpu.memory_space<hbm>> -> memref<8x2048xf32, #tpu.memory_space<hbm>>
    %dma_wait3A_319 = arith.constant 0 : i32
    %dma_wait3A_320 = arith.constant 0 : i32
    %dma_wait3A_321 = tpu.memref_slice %arg5[%dma_wait3A_305, %dma_wait3A_319, %dma_wait3A_320] : memref<2x8x3968xf32, #tpu.memory_space<vmem>> -> memref<1x8x2048xf32, #tpu.memory_space<vmem>>
    %dma_wait3A_322 = tpu.memref_squeeze %dma_wait3A_321 : memref<1x8x2048xf32, #tpu.memory_space<vmem>> -> memref<8x2048xf32, #tpu.memory_space<vmem>>
    tpu.wait_dma2 semaphore(%arg6 : memref<!tpu.dma_semaphore, #tpu.memory_space<semaphore_mem>>) src(%dma_wait3A_322 : memref<8x2048xf32, #tpu.memory_space<vmem>>) dst(%dma_wait3A_318 : memref<8x2048xf32, #tpu.memory_space<hbm>>)
    %dma_wait3A_323 = arith.constant 0 : i32
    %dma_wait3A_324 = arith.constant 0 : i32
    %dma_wait3A_325 = arith.constant 0 : i32
    %dma_wait3A_326 = arith.constant 0 : i32
    %dma_wait3A_327 = tpu.memref_slice %arg5[%dma_wait3A_323, %dma_wait3A_325, %dma_wait3A_326] : memref<2x8x3968xf32, #tpu.memory_space<vmem>> -> memref<1x8x2048xf32, #tpu.memory_space<vmem>>
    %dma_wait3A_328 = tpu.memref_squeeze %dma_wait3A_327 : memref<1x8x2048xf32, #tpu.memory_space<vmem>> -> memref<8x2048xf32, #tpu.memory_space<vmem>>
    %dma_wait3A_329 = arith.constant 0 : i32
    %dma_wait3A_330 = arith.constant 0 : i32
    %dma_wait3A_331 = tpu.memref_slice %arg3[%dma_wait3A_324, %dma_wait3A_329, %dma_wait3A_330] : memref<16x2048x2048xf32, #tpu.memory_space<hbm>> -> memref<1x8x2048xf32, #tpu.memory_space<hbm>>
    %dma_wait3A_332 = tpu.memref_squeeze %dma_wait3A_331 : memref<1x8x2048xf32, #tpu.memory_space<hbm>> -> memref<8x2048xf32, #tpu.memory_space<hbm>>
    %dma_wait3A_333 = arith.constant 0 : i32
    %dma_wait3A_334 = arith.constant 0 : i32
    %dma_wait3A_335 = tpu.memref_slice %arg3[%dma_wait3A_324, %dma_wait3A_333, %dma_wait3A_334] : memref<16x2048x2048xf32, #tpu.memory_space<hbm>> -> memref<1x8x2048xf32, #tpu.memory_space<hbm>>
    %dma_wait3A_336 = tpu.memref_squeeze %dma_wait3A_335 : memref<1x8x2048xf32, #tpu.memory_space<hbm>> -> memref<8x2048xf32, #tpu.memory_space<hbm>>
    %dma_wait3A_337 = arith.constant 0 : i32
    %dma_wait3A_338 = arith.constant 0 : i32
    %dma_wait3A_339 = tpu.memref_slice %arg5[%dma_wait3A_323, %dma_wait3A_337, %dma_wait3A_338] : memref<2x8x3968xf32, #tpu.memory_space<vmem>> -> memref<1x8x2048xf32, #tpu.memory_space<vmem>>
    %dma_wait3A_340 = tpu.memref_squeeze %dma_wait3A_339 : memref<1x8x2048xf32, #tpu.memory_space<vmem>> -> memref<8x2048xf32, #tpu.memory_space<vmem>>
    tpu.wait_dma2 semaphore(%arg6 : memref<!tpu.dma_semaphore, #tpu.memory_space<semaphore_mem>>) src(%dma_wait3A_340 : memref<8x2048xf32, #tpu.memory_space<vmem>>) dst(%dma_wait3A_336 : memref<8x2048xf32, #tpu.memory_space<hbm>>)
    %dma_wait3A_341 = arith.constant 0 : i32
    %dma_wait3A_342 = arith.constant 0 : i32
    %dma_wait3A_343 = arith.constant 0 : i32
    %dma_wait3A_344 = arith.constant 0 : i32
    %dma_wait3A_345 = tpu.memref_slice %arg5[%dma_wait3A_341, %dma_wait3A_343, %dma_wait3A_344] : memref<2x8x3968xf32, #tpu.memory_space<vmem>> -> memref<1x8x2048xf32, #tpu.memory_space<vmem>>
    %dma_wait3A_346 = tpu.memref_squeeze %dma_wait3A_345 : memref<1x8x2048xf32, #tpu.memory_space<vmem>> -> memref<8x2048xf32, #tpu.memory_space<vmem>>
    %dma_wait3A_347 = arith.constant 0 : i32
    %dma_wait3A_348 = arith.constant 0 : i32
    %dma_wait3A_349 = tpu.memref_slice %arg3[%dma_wait3A_342, %dma_wait3A_347, %dma_wait3A_348] : memref<16x2048x2048xf32, #tpu.memory_space<hbm>> -> memref<1x8x2048xf32, #tpu.memory_space<hbm>>
    %dma_wait3A_350 = tpu.memref_squeeze %dma_wait3A_349 : memref<1x8x2048xf32, #tpu.memory_space<hbm>> -> memref<8x2048xf32, #tpu.memory_space<hbm>>
    %dma_wait3A_351 = arith.constant 0 : i32
    %dma_wait3A_352 = arith.constant 0 : i32
    %dma_wait3A_353 = tpu.memref_slice %arg3[%dma_wait3A_342, %dma_wait3A_351, %dma_wait3A_352] : memref<16x2048x2048xf32, #tpu.memory_space<hbm>> -> memref<1x8x2048xf32, #tpu.memory_space<hbm>>
    %dma_wait3A_354 = tpu.memref_squeeze %dma_wait3A_353 : memref<1x8x2048xf32, #tpu.memory_space<hbm>> -> memref<8x2048xf32, #tpu.memory_space<hbm>>
    %dma_wait3A_355 = arith.constant 0 : i32
    %dma_wait3A_356 = arith.constant 0 : i32
    %dma_wait3A_357 = tpu.memref_slice %arg5[%dma_wait3A_341, %dma_wait3A_355, %dma_wait3A_356] : memref<2x8x3968xf32, #tpu.memory_space<vmem>> -> memref<1x8x2048xf32, #tpu.memory_space<vmem>>
    %dma_wait3A_358 = tpu.memref_squeeze %dma_wait3A_357 : memref<1x8x2048xf32, #tpu.memory_space<vmem>> -> memref<8x2048xf32, #tpu.memory_space<vmem>>
    tpu.wait_dma2 semaphore(%arg6 : memref<!tpu.dma_semaphore, #tpu.memory_space<semaphore_mem>>) src(%dma_wait3A_358 : memref<8x2048xf32, #tpu.memory_space<vmem>>) dst(%dma_wait3A_354 : memref<8x2048xf32, #tpu.memory_space<hbm>>)
    %dma_wait3A_359 = arith.constant 0 : i32
    %dma_wait3A_360 = arith.constant 0 : i32
    %dma_wait3A_361 = arith.constant 0 : i32
    %dma_wait3A_362 = arith.constant 0 : i32
    %dma_wait3A_363 = tpu.memref_slice %arg5[%dma_wait3A_359, %dma_wait3A_361, %dma_wait3A_362] : memref<2x8x3968xf32, #tpu.memory_space<vmem>> -> memref<1x8x2048xf32, #tpu.memory_space<vmem>>
    %dma_wait3A_364 = tpu.memref_squeeze %dma_wait3A_363 : memref<1x8x2048xf32, #tpu.memory_space<vmem>> -> memref<8x2048xf32, #tpu.memory_space<vmem>>
    %dma_wait3A_365 = arith.constant 0 : i32
    %dma_wait3A_366 = arith.constant 0 : i32
    %dma_wait3A_367 = tpu.memref_slice %arg3[%dma_wait3A_360, %dma_wait3A_365, %dma_wait3A_366] : memref<16x2048x2048xf32, #tpu.memory_space<hbm>> -> memref<1x8x2048xf32, #tpu.memory_space<hbm>>
    %dma_wait3A_368 = tpu.memref_squeeze %dma_wait3A_367 : memref<1x8x2048xf32, #tpu.memory_space<hbm>> -> memref<8x2048xf32, #tpu.memory_space<hbm>>
    %dma_wait3A_369 = arith.constant 0 : i32
    %dma_wait3A_370 = arith.constant 0 : i32
    %dma_wait3A_371 = tpu.memref_slice %arg3[%dma_wait3A_360, %dma_wait3A_369, %dma_wait3A_370] : memref<16x2048x2048xf32, #tpu.memory_space<hbm>> -> memref<1x8x2048xf32, #tpu.memory_space<hbm>>
    %dma_wait3A_372 = tpu.memref_squeeze %dma_wait3A_371 : memref<1x8x2048xf32, #tpu.memory_space<hbm>> -> memref<8x2048xf32, #tpu.memory_space<hbm>>
    %dma_wait3A_373 = arith.constant 0 : i32
    %dma_wait3A_374 = arith.constant 0 : i32
    %dma_wait3A_375 = tpu.memref_slice %arg5[%dma_wait3A_359, %dma_wait3A_373, %dma_wait3A_374] : memref<2x8x3968xf32, #tpu.memory_space<vmem>> -> memref<1x8x2048xf32, #tpu.memory_space<vmem>>
    %dma_wait3A_376 = tpu.memref_squeeze %dma_wait3A_375 : memref<1x8x2048xf32, #tpu.memory_space<vmem>> -> memref<8x2048xf32, #tpu.memory_space<vmem>>
    tpu.wait_dma2 semaphore(%arg6 : memref<!tpu.dma_semaphore, #tpu.memory_space<semaphore_mem>>) src(%dma_wait3A_376 : memref<8x2048xf32, #tpu.memory_space<vmem>>) dst(%dma_wait3A_372 : memref<8x2048xf32, #tpu.memory_space<hbm>>)
    %dma_wait3A_377 = arith.constant 0 : i32
    %dma_wait3A_378 = arith.constant 0 : i32
    %dma_wait3A_379 = arith.constant 0 : i32
    %dma_wait3A_380 = arith.constant 0 : i32
    %dma_wait3A_381 = tpu.memref_slice %arg5[%dma_wait3A_377, %dma_wait3A_379, %dma_wait3A_380] : memref<2x8x3968xf32, #tpu.memory_space<vmem>> -> memref<1x8x2048xf32, #tpu.memory_space<vmem>>
    %dma_wait3A_382 = tpu.memref_squeeze %dma_wait3A_381 : memref<1x8x2048xf32, #tpu.memory_space<vmem>> -> memref<8x2048xf32, #tpu.memory_space<vmem>>
    %dma_wait3A_383 = arith.constant 0 : i32
    %dma_wait3A_384 = arith.constant 0 : i32
    %dma_wait3A_385 = tpu.memref_slice %arg3[%dma_wait3A_378, %dma_wait3A_383, %dma_wait3A_384] : memref<16x2048x2048xf32, #tpu.memory_space<hbm>> -> memref<1x8x2048xf32, #tpu.memory_space<hbm>>
    %dma_wait3A_386 = tpu.memref_squeeze %dma_wait3A_385 : memref<1x8x2048xf32, #tpu.memory_space<hbm>> -> memref<8x2048xf32, #tpu.memory_space<hbm>>
    %dma_wait3A_387 = arith.constant 0 : i32
    %dma_wait3A_388 = arith.constant 0 : i32
    %dma_wait3A_389 = tpu.memref_slice %arg3[%dma_wait3A_378, %dma_wait3A_387, %dma_wait3A_388] : memref<16x2048x2048xf32, #tpu.memory_space<hbm>> -> memref<1x8x2048xf32, #tpu.memory_space<hbm>>
    %dma_wait3A_390 = tpu.memref_squeeze %dma_wait3A_389 : memref<1x8x2048xf32, #tpu.memory_space<hbm>> -> memref<8x2048xf32, #tpu.memory_space<hbm>>
    %dma_wait3A_391 = arith.constant 0 : i32
    %dma_wait3A_392 = arith.constant 0 : i32
    %dma_wait3A_393 = tpu.memref_slice %arg5[%dma_wait3A_377, %dma_wait3A_391, %dma_wait3A_392] : memref<2x8x3968xf32, #tpu.memory_space<vmem>> -> memref<1x8x2048xf32, #tpu.memory_space<vmem>>
    %dma_wait3A_394 = tpu.memref_squeeze %dma_wait3A_393 : memref<1x8x2048xf32, #tpu.memory_space<vmem>> -> memref<8x2048xf32, #tpu.memory_space<vmem>>
    tpu.wait_dma2 semaphore(%arg6 : memref<!tpu.dma_semaphore, #tpu.memory_space<semaphore_mem>>) src(%dma_wait3A_394 : memref<8x2048xf32, #tpu.memory_space<vmem>>) dst(%dma_wait3A_390 : memref<8x2048xf32, #tpu.memory_space<hbm>>)
    %dma_wait3A_395 = arith.constant 0 : i32
    %dma_wait3A_396 = arith.constant 0 : i32
    %dma_wait3A_397 = arith.constant 0 : i32
    %dma_wait3A_398 = arith.constant 0 : i32
    %dma_wait3A_399 = tpu.memref_slice %arg5[%dma_wait3A_395, %dma_wait3A_397, %dma_wait3A_398] : memref<2x8x3968xf32, #tpu.memory_space<vmem>> -> memref<1x8x2048xf32, #tpu.memory_space<vmem>>
    %dma_wait3A_400 = tpu.memref_squeeze %dma_wait3A_399 : memref<1x8x2048xf32, #tpu.memory_space<vmem>> -> memref<8x2048xf32, #tpu.memory_space<vmem>>
    %dma_wait3A_401 = arith.constant 0 : i32
    %dma_wait3A_402 = arith.constant 0 : i32
    %dma_wait3A_403 = tpu.memref_slice %arg3[%dma_wait3A_396, %dma_wait3A_401, %dma_wait3A_402] : memref<16x2048x2048xf32, #tpu.memory_space<hbm>> -> memref<1x8x2048xf32, #tpu.memory_space<hbm>>
    %dma_wait3A_404 = tpu.memref_squeeze %dma_wait3A_403 : memref<1x8x2048xf32, #tpu.memory_space<hbm>> -> memref<8x2048xf32, #tpu.memory_space<hbm>>
    %dma_wait3A_405 = arith.constant 0 : i32
    %dma_wait3A_406 = arith.constant 0 : i32
    %dma_wait3A_407 = tpu.memref_slice %arg3[%dma_wait3A_396, %dma_wait3A_405, %dma_wait3A_406] : memref<16x2048x2048xf32, #tpu.memory_space<hbm>> -> memref<1x8x2048xf32, #tpu.memory_space<hbm>>
    %dma_wait3A_408 = tpu.memref_squeeze %dma_wait3A_407 : memref<1x8x2048xf32, #tpu.memory_space<hbm>> -> memref<8x2048xf32, #tpu.memory_space<hbm>>
    %dma_wait3A_409 = arith.constant 0 : i32
    %dma_wait3A_410 = arith.constant 0 : i32
    %dma_wait3A_411 = tpu.memref_slice %arg5[%dma_wait3A_395, %dma_wait3A_409, %dma_wait3A_410] : memref<2x8x3968xf32, #tpu.memory_space<vmem>> -> memref<1x8x2048xf32, #tpu.memory_space<vmem>>
    %dma_wait3A_412 = tpu.memref_squeeze %dma_wait3A_411 : memref<1x8x2048xf32, #tpu.memory_space<vmem>> -> memref<8x2048xf32, #tpu.memory_space<vmem>>
    tpu.wait_dma2 semaphore(%arg6 : memref<!tpu.dma_semaphore, #tpu.memory_space<semaphore_mem>>) src(%dma_wait3A_412 : memref<8x2048xf32, #tpu.memory_space<vmem>>) dst(%dma_wait3A_408 : memref<8x2048xf32, #tpu.memory_space<hbm>>)
    %dma_wait3A_413 = arith.constant 0 : i32
    %dma_wait3A_414 = arith.constant 0 : i32
    %dma_wait3A_415 = arith.constant 0 : i32
    %dma_wait3A_416 = arith.constant 0 : i32
    %dma_wait3A_417 = tpu.memref_slice %arg5[%dma_wait3A_413, %dma_wait3A_415, %dma_wait3A_416] : memref<2x8x3968xf32, #tpu.memory_space<vmem>> -> memref<1x8x2048xf32, #tpu.memory_space<vmem>>
    %dma_wait3A_418 = tpu.memref_squeeze %dma_wait3A_417 : memref<1x8x2048xf32, #tpu.memory_space<vmem>> -> memref<8x2048xf32, #tpu.memory_space<vmem>>
    %dma_wait3A_419 = arith.constant 0 : i32
    %dma_wait3A_420 = arith.constant 0 : i32
    %dma_wait3A_421 = tpu.memref_slice %arg3[%dma_wait3A_414, %dma_wait3A_419, %dma_wait3A_420] : memref<16x2048x2048xf32, #tpu.memory_space<hbm>> -> memref<1x8x2048xf32, #tpu.memory_space<hbm>>
    %dma_wait3A_422 = tpu.memref_squeeze %dma_wait3A_421 : memref<1x8x2048xf32, #tpu.memory_space<hbm>> -> memref<8x2048xf32, #tpu.memory_space<hbm>>
    %dma_wait3A_423 = arith.constant 0 : i32
    %dma_wait3A_424 = arith.constant 0 : i32
    %dma_wait3A_425 = tpu.memref_slice %arg3[%dma_wait3A_414, %dma_wait3A_423, %dma_wait3A_424] : memref<16x2048x2048xf32, #tpu.memory_space<hbm>> -> memref<1x8x2048xf32, #tpu.memory_space<hbm>>
    %dma_wait3A_426 = tpu.memref_squeeze %dma_wait3A_425 : memref<1x8x2048xf32, #tpu.memory_space<hbm>> -> memref<8x2048xf32, #tpu.memory_space<hbm>>
    %dma_wait3A_427 = arith.constant 0 : i32
    %dma_wait3A_428 = arith.constant 0 : i32
    %dma_wait3A_429 = tpu.memref_slice %arg5[%dma_wait3A_413, %dma_wait3A_427, %dma_wait3A_428] : memref<2x8x3968xf32, #tpu.memory_space<vmem>> -> memref<1x8x2048xf32, #tpu.memory_space<vmem>>
    %dma_wait3A_430 = tpu.memref_squeeze %dma_wait3A_429 : memref<1x8x2048xf32, #tpu.memory_space<vmem>> -> memref<8x2048xf32, #tpu.memory_space<vmem>>
    tpu.wait_dma2 semaphore(%arg6 : memref<!tpu.dma_semaphore, #tpu.memory_space<semaphore_mem>>) src(%dma_wait3A_430 : memref<8x2048xf32, #tpu.memory_space<vmem>>) dst(%dma_wait3A_426 : memref<8x2048xf32, #tpu.memory_space<hbm>>)
    %dma_wait3A_431 = arith.constant 0 : i32
    %dma_wait3A_432 = arith.constant 0 : i32
    %dma_wait3A_433 = arith.constant 0 : i32
    %dma_wait3A_434 = arith.constant 0 : i32
    %dma_wait3A_435 = tpu.memref_slice %arg5[%dma_wait3A_431, %dma_wait3A_433, %dma_wait3A_434] : memref<2x8x3968xf32, #tpu.memory_space<vmem>> -> memref<1x8x2048xf32, #tpu.memory_space<vmem>>
    %dma_wait3A_436 = tpu.memref_squeeze %dma_wait3A_435 : memref<1x8x2048xf32, #tpu.memory_space<vmem>> -> memref<8x2048xf32, #tpu.memory_space<vmem>>
    %dma_wait3A_437 = arith.constant 0 : i32
    %dma_wait3A_438 = arith.constant 0 : i32
    %dma_wait3A_439 = tpu.memref_slice %arg3[%dma_wait3A_432, %dma_wait3A_437, %dma_wait3A_438] : memref<16x2048x2048xf32, #tpu.memory_space<hbm>> -> memref<1x8x2048xf32, #tpu.memory_space<hbm>>
    %dma_wait3A_440 = tpu.memref_squeeze %dma_wait3A_439 : memref<1x8x2048xf32, #tpu.memory_space<hbm>> -> memref<8x2048xf32, #tpu.memory_space<hbm>>
    %dma_wait3A_441 = arith.constant 0 : i32
    %dma_wait3A_442 = arith.constant 0 : i32
    %dma_wait3A_443 = tpu.memref_slice %arg3[%dma_wait3A_432, %dma_wait3A_441, %dma_wait3A_442] : memref<16x2048x2048xf32, #tpu.memory_space<hbm>> -> memref<1x8x2048xf32, #tpu.memory_space<hbm>>
    %dma_wait3A_444 = tpu.memref_squeeze %dma_wait3A_443 : memref<1x8x2048xf32, #tpu.memory_space<hbm>> -> memref<8x2048xf32, #tpu.memory_space<hbm>>
    %dma_wait3A_445 = arith.constant 0 : i32
    %dma_wait3A_446 = arith.constant 0 : i32
    %dma_wait3A_447 = tpu.memref_slice %arg5[%dma_wait3A_431, %dma_wait3A_445, %dma_wait3A_446] : memref<2x8x3968xf32, #tpu.memory_space<vmem>> -> memref<1x8x2048xf32, #tpu.memory_space<vmem>>
    %dma_wait3A_448 = tpu.memref_squeeze %dma_wait3A_447 : memref<1x8x2048xf32, #tpu.memory_space<vmem>> -> memref<8x2048xf32, #tpu.memory_space<vmem>>
    tpu.wait_dma2 semaphore(%arg6 : memref<!tpu.dma_semaphore, #tpu.memory_space<semaphore_mem>>) src(%dma_wait3A_448 : memref<8x2048xf32, #tpu.memory_space<vmem>>) dst(%dma_wait3A_444 : memref<8x2048xf32, #tpu.memory_space<hbm>>)
    %dma_wait3A_449 = arith.constant 0 : i32
    %dma_wait3A_450 = arith.constant 0 : i32
    %dma_wait3A_451 = arith.constant 0 : i32
    %dma_wait3A_452 = arith.constant 0 : i32
    %dma_wait3A_453 = tpu.memref_slice %arg5[%dma_wait3A_449, %dma_wait3A_451, %dma_wait3A_452] : memref<2x8x3968xf32, #tpu.memory_space<vmem>> -> memref<1x8x2048xf32, #tpu.memory_space<vmem>>
    %dma_wait3A_454 = tpu.memref_squeeze %dma_wait3A_453 : memref<1x8x2048xf32, #tpu.memory_space<vmem>> -> memref<8x2048xf32, #tpu.memory_space<vmem>>
    %dma_wait3A_455 = arith.constant 0 : i32
    %dma_wait3A_456 = arith.constant 0 : i32
    %dma_wait3A_457 = tpu.memref_slice %arg3[%dma_wait3A_450, %dma_wait3A_455, %dma_wait3A_456] : memref<16x2048x2048xf32, #tpu.memory_space<hbm>> -> memref<1x8x2048xf32, #tpu.memory_space<hbm>>
    %dma_wait3A_458 = tpu.memref_squeeze %dma_wait3A_457 : memref<1x8x2048xf32, #tpu.memory_space<hbm>> -> memref<8x2048xf32, #tpu.memory_space<hbm>>
    %dma_wait3A_459 = arith.constant 0 : i32
    %dma_wait3A_460 = arith.constant 0 : i32
    %dma_wait3A_461 = tpu.memref_slice %arg3[%dma_wait3A_450, %dma_wait3A_459, %dma_wait3A_460] : memref<16x2048x2048xf32, #tpu.memory_space<hbm>> -> memref<1x8x2048xf32, #tpu.memory_space<hbm>>
    %dma_wait3A_462 = tpu.memref_squeeze %dma_wait3A_461 : memref<1x8x2048xf32, #tpu.memory_space<hbm>> -> memref<8x2048xf32, #tpu.memory_space<hbm>>
    %dma_wait3A_463 = arith.constant 0 : i32
    %dma_wait3A_464 = arith.constant 0 : i32
    %dma_wait3A_465 = tpu.memref_slice %arg5[%dma_wait3A_449, %dma_wait3A_463, %dma_wait3A_464] : memref<2x8x3968xf32, #tpu.memory_space<vmem>> -> memref<1x8x2048xf32, #tpu.memory_space<vmem>>
    %dma_wait3A_466 = tpu.memref_squeeze %dma_wait3A_465 : memref<1x8x2048xf32, #tpu.memory_space<vmem>> -> memref<8x2048xf32, #tpu.memory_space<vmem>>
    tpu.wait_dma2 semaphore(%arg6 : memref<!tpu.dma_semaphore, #tpu.memory_space<semaphore_mem>>) src(%dma_wait3A_466 : memref<8x2048xf32, #tpu.memory_space<vmem>>) dst(%dma_wait3A_462 : memref<8x2048xf32, #tpu.memory_space<hbm>>)
    %dma_wait3A_467 = arith.constant 0 : i32
    %dma_wait3A_468 = arith.constant 0 : i32
    %dma_wait3A_469 = arith.constant 0 : i32
    %dma_wait3A_470 = arith.constant 0 : i32
    %dma_wait3A_471 = tpu.memref_slice %arg5[%dma_wait3A_467, %dma_wait3A_469, %dma_wait3A_470] : memref<2x8x3968xf32, #tpu.memory_space<vmem>> -> memref<1x8x2048xf32, #tpu.memory_space<vmem>>
    %dma_wait3A_472 = tpu.memref_squeeze %dma_wait3A_471 : memref<1x8x2048xf32, #tpu.memory_space<vmem>> -> memref<8x2048xf32, #tpu.memory_space<vmem>>
    %dma_wait3A_473 = arith.constant 0 : i32
    %dma_wait3A_474 = arith.constant 0 : i32
    %dma_wait3A_475 = tpu.memref_slice %arg3[%dma_wait3A_468, %dma_wait3A_473, %dma_wait3A_474] : memref<16x2048x2048xf32, #tpu.memory_space<hbm>> -> memref<1x8x2048xf32, #tpu.memory_space<hbm>>
    %dma_wait3A_476 = tpu.memref_squeeze %dma_wait3A_475 : memref<1x8x2048xf32, #tpu.memory_space<hbm>> -> memref<8x2048xf32, #tpu.memory_space<hbm>>
    %dma_wait3A_477 = arith.constant 0 : i32
    %dma_wait3A_478 = arith.constant 0 : i32
    %dma_wait3A_479 = tpu.memref_slice %arg3[%dma_wait3A_468, %dma_wait3A_477, %dma_wait3A_478] : memref<16x2048x2048xf32, #tpu.memory_space<hbm>> -> memref<1x8x2048xf32, #tpu.memory_space<hbm>>
    %dma_wait3A_480 = tpu.memref_squeeze %dma_wait3A_479 : memref<1x8x2048xf32, #tpu.memory_space<hbm>> -> memref<8x2048xf32, #tpu.memory_space<hbm>>
    %dma_wait3A_481 = arith.constant 0 : i32
    %dma_wait3A_482 = arith.constant 0 : i32
    %dma_wait3A_483 = tpu.memref_slice %arg5[%dma_wait3A_467, %dma_wait3A_481, %dma_wait3A_482] : memref<2x8x3968xf32, #tpu.memory_space<vmem>> -> memref<1x8x2048xf32, #tpu.memory_space<vmem>>
    %dma_wait3A_484 = tpu.memref_squeeze %dma_wait3A_483 : memref<1x8x2048xf32, #tpu.memory_space<vmem>> -> memref<8x2048xf32, #tpu.memory_space<vmem>>
    tpu.wait_dma2 semaphore(%arg6 : memref<!tpu.dma_semaphore, #tpu.memory_space<semaphore_mem>>) src(%dma_wait3A_484 : memref<8x2048xf32, #tpu.memory_space<vmem>>) dst(%dma_wait3A_480 : memref<8x2048xf32, #tpu.memory_space<hbm>>)
    %dma_wait3A_485 = arith.constant 0 : i32
    %dma_wait3A_486 = arith.constant 0 : i32
    %dma_wait3A_487 = arith.constant 0 : i32
    %dma_wait3A_488 = arith.constant 0 : i32
    %dma_wait3A_489 = tpu.memref_slice %arg5[%dma_wait3A_485, %dma_wait3A_487, %dma_wait3A_488] : memref<2x8x3968xf32, #tpu.memory_space<vmem>> -> memref<1x8x2048xf32, #tpu.memory_space<vmem>>
    %dma_wait3A_490 = tpu.memref_squeeze %dma_wait3A_489 : memref<1x8x2048xf32, #tpu.memory_space<vmem>> -> memref<8x2048xf32, #tpu.memory_space<vmem>>
    %dma_wait3A_491 = arith.constant 0 : i32
    %dma_wait3A_492 = arith.constant 0 : i32
    %dma_wait3A_493 = tpu.memref_slice %arg3[%dma_wait3A_486, %dma_wait3A_491, %dma_wait3A_492] : memref<16x2048x2048xf32, #tpu.memory_space<hbm>> -> memref<1x8x2048xf32, #tpu.memory_space<hbm>>
    %dma_wait3A_494 = tpu.memref_squeeze %dma_wait3A_493 : memref<1x8x2048xf32, #tpu.memory_space<hbm>> -> memref<8x2048xf32, #tpu.memory_space<hbm>>
    %dma_wait3A_495 = arith.constant 0 : i32
    %dma_wait3A_496 = arith.constant 0 : i32
    %dma_wait3A_497 = tpu.memref_slice %arg3[%dma_wait3A_486, %dma_wait3A_495, %dma_wait3A_496] : memref<16x2048x2048xf32, #tpu.memory_space<hbm>> -> memref<1x8x2048xf32, #tpu.memory_space<hbm>>
    %dma_wait3A_498 = tpu.memref_squeeze %dma_wait3A_497 : memref<1x8x2048xf32, #tpu.memory_space<hbm>> -> memref<8x2048xf32, #tpu.memory_space<hbm>>
    %dma_wait3A_499 = arith.constant 0 : i32
    %dma_wait3A_500 = arith.constant 0 : i32
    %dma_wait3A_501 = tpu.memref_slice %arg5[%dma_wait3A_485, %dma_wait3A_499, %dma_wait3A_500] : memref<2x8x3968xf32, #tpu.memory_space<vmem>> -> memref<1x8x2048xf32, #tpu.memory_space<vmem>>
    %dma_wait3A_502 = tpu.memref_squeeze %dma_wait3A_501 : memref<1x8x2048xf32, #tpu.memory_space<vmem>> -> memref<8x2048xf32, #tpu.memory_space<vmem>>
    tpu.wait_dma2 semaphore(%arg6 : memref<!tpu.dma_semaphore, #tpu.memory_space<semaphore_mem>>) src(%dma_wait3A_502 : memref<8x2048xf32, #tpu.memory_space<vmem>>) dst(%dma_wait3A_498 : memref<8x2048xf32, #tpu.memory_space<hbm>>)
    %dma_wait3A_503 = arith.constant 0 : i32
    %dma_wait3A_504 = arith.constant 0 : i32
    %dma_wait3A_505 = arith.constant 0 : i32
    %dma_wait3A_506 = arith.constant 0 : i32
    %dma_wait3A_507 = tpu.memref_slice %arg5[%dma_wait3A_503, %dma_wait3A_505, %dma_wait3A_506] : memref<2x8x3968xf32, #tpu.memory_space<vmem>> -> memref<1x8x2048xf32, #tpu.memory_space<vmem>>
    %dma_wait3A_508 = tpu.memref_squeeze %dma_wait3A_507 : memref<1x8x2048xf32, #tpu.memory_space<vmem>> -> memref<8x2048xf32, #tpu.memory_space<vmem>>
    %dma_wait3A_509 = arith.constant 0 : i32
    %dma_wait3A_510 = arith.constant 0 : i32
    %dma_wait3A_511 = tpu.memref_slice %arg3[%dma_wait3A_504, %dma_wait3A_509, %dma_wait3A_510] : memref<16x2048x2048xf32, #tpu.memory_space<hbm>> -> memref<1x8x2048xf32, #tpu.memory_space<hbm>>
    %dma_wait3A_512 = tpu.memref_squeeze %dma_wait3A_511 : memref<1x8x2048xf32, #tpu.memory_space<hbm>> -> memref<8x2048xf32, #tpu.memory_space<hbm>>
    %dma_wait3A_513 = arith.constant 0 : i32
    %dma_wait3A_514 = arith.constant 0 : i32
    %dma_wait3A_515 = tpu.memref_slice %arg3[%dma_wait3A_504, %dma_wait3A_513, %dma_wait3A_514] : memref<16x2048x2048xf32, #tpu.memory_space<hbm>> -> memref<1x8x2048xf32, #tpu.memory_space<hbm>>
    %dma_wait3A_516 = tpu.memref_squeeze %dma_wait3A_515 : memref<1x8x2048xf32, #tpu.memory_space<hbm>> -> memref<8x2048xf32, #tpu.memory_space<hbm>>
    %dma_wait3A_517 = arith.constant 0 : i32
    %dma_wait3A_518 = arith.constant 0 : i32
    %dma_wait3A_519 = tpu.memref_slice %arg5[%dma_wait3A_503, %dma_wait3A_517, %dma_wait3A_518] : memref<2x8x3968xf32, #tpu.memory_space<vmem>> -> memref<1x8x2048xf32, #tpu.memory_space<vmem>>
    %dma_wait3A_520 = tpu.memref_squeeze %dma_wait3A_519 : memref<1x8x2048xf32, #tpu.memory_space<vmem>> -> memref<8x2048xf32, #tpu.memory_space<vmem>>
    tpu.wait_dma2 semaphore(%arg6 : memref<!tpu.dma_semaphore, #tpu.memory_space<semaphore_mem>>) src(%dma_wait3A_520 : memref<8x2048xf32, #tpu.memory_space<vmem>>) dst(%dma_wait3A_516 : memref<8x2048xf32, #tpu.memory_space<hbm>>)
    %dma_wait3A_521 = arith.constant 0 : i32
    %dma_wait3A_522 = arith.constant 0 : i32
    %dma_wait3A_523 = arith.constant 0 : i32
    %dma_wait3A_524 = arith.constant 0 : i32
    %dma_wait3A_525 = tpu.memref_slice %arg5[%dma_wait3A_521, %dma_wait3A_523, %dma_wait3A_524] : memref<2x8x3968xf32, #tpu.memory_space<vmem>> -> memref<1x8x2048xf32, #tpu.memory_space<vmem>>
    %dma_wait3A_526 = tpu.memref_squeeze %dma_wait3A_525 : memref<1x8x2048xf32, #tpu.memory_space<vmem>> -> memref<8x2048xf32, #tpu.memory_space<vmem>>
    %dma_wait3A_527 = arith.constant 0 : i32
    %dma_wait3A_528 = arith.constant 0 : i32
    %dma_wait3A_529 = tpu.memref_slice %arg3[%dma_wait3A_522, %dma_wait3A_527, %dma_wait3A_528] : memref<16x2048x2048xf32, #tpu.memory_space<hbm>> -> memref<1x8x2048xf32, #tpu.memory_space<hbm>>
    %dma_wait3A_530 = tpu.memref_squeeze %dma_wait3A_529 : memref<1x8x2048xf32, #tpu.memory_space<hbm>> -> memref<8x2048xf32, #tpu.memory_space<hbm>>
    %dma_wait3A_531 = arith.constant 0 : i32
    %dma_wait3A_532 = arith.constant 0 : i32
    %dma_wait3A_533 = tpu.memref_slice %arg3[%dma_wait3A_522, %dma_wait3A_531, %dma_wait3A_532] : memref<16x2048x2048xf32, #tpu.memory_space<hbm>> -> memref<1x8x2048xf32, #tpu.memory_space<hbm>>
    %dma_wait3A_534 = tpu.memref_squeeze %dma_wait3A_533 : memref<1x8x2048xf32, #tpu.memory_space<hbm>> -> memref<8x2048xf32, #tpu.memory_space<hbm>>
    %dma_wait3A_535 = arith.constant 0 : i32
    %dma_wait3A_536 = arith.constant 0 : i32
    %dma_wait3A_537 = tpu.memref_slice %arg5[%dma_wait3A_521, %dma_wait3A_535, %dma_wait3A_536] : memref<2x8x3968xf32, #tpu.memory_space<vmem>> -> memref<1x8x2048xf32, #tpu.memory_space<vmem>>
    %dma_wait3A_538 = tpu.memref_squeeze %dma_wait3A_537 : memref<1x8x2048xf32, #tpu.memory_space<vmem>> -> memref<8x2048xf32, #tpu.memory_space<vmem>>
    tpu.wait_dma2 semaphore(%arg6 : memref<!tpu.dma_semaphore, #tpu.memory_space<semaphore_mem>>) src(%dma_wait3A_538 : memref<8x2048xf32, #tpu.memory_space<vmem>>) dst(%dma_wait3A_534 : memref<8x2048xf32, #tpu.memory_space<hbm>>)
    %dma_wait3A_539 = arith.constant 0 : i32
    %dma_wait3A_540 = arith.constant 0 : i32
    %dma_wait3A_541 = arith.constant 0 : i32
    %dma_wait3A_542 = arith.constant 0 : i32
    %dma_wait3A_543 = tpu.memref_slice %arg5[%dma_wait3A_539, %dma_wait3A_541, %dma_wait3A_542] : memref<2x8x3968xf32, #tpu.memory_space<vmem>> -> memref<1x8x2048xf32, #tpu.memory_space<vmem>>
    %dma_wait3A_544 = tpu.memref_squeeze %dma_wait3A_543 : memref<1x8x2048xf32, #tpu.memory_space<vmem>> -> memref<8x2048xf32, #tpu.memory_space<vmem>>
    %dma_wait3A_545 = arith.constant 0 : i32
    %dma_wait3A_546 = arith.constant 0 : i32
    %dma_wait3A_547 = tpu.memref_slice %arg3[%dma_wait3A_540, %dma_wait3A_545, %dma_wait3A_546] : memref<16x2048x2048xf32, #tpu.memory_space<hbm>> -> memref<1x8x2048xf32, #tpu.memory_space<hbm>>
    %dma_wait3A_548 = tpu.memref_squeeze %dma_wait3A_547 : memref<1x8x2048xf32, #tpu.memory_space<hbm>> -> memref<8x2048xf32, #tpu.memory_space<hbm>>
    %dma_wait3A_549 = arith.constant 0 : i32
    %dma_wait3A_550 = arith.constant 0 : i32
    %dma_wait3A_551 = tpu.memref_slice %arg3[%dma_wait3A_540, %dma_wait3A_549, %dma_wait3A_550] : memref<16x2048x2048xf32, #tpu.memory_space<hbm>> -> memref<1x8x2048xf32, #tpu.memory_space<hbm>>
    %dma_wait3A_552 = tpu.memref_squeeze %dma_wait3A_551 : memref<1x8x2048xf32, #tpu.memory_space<hbm>> -> memref<8x2048xf32, #tpu.memory_space<hbm>>
    %dma_wait3A_553 = arith.constant 0 : i32
    %dma_wait3A_554 = arith.constant 0 : i32
    %dma_wait3A_555 = tpu.memref_slice %arg5[%dma_wait3A_539, %dma_wait3A_553, %dma_wait3A_554] : memref<2x8x3968xf32, #tpu.memory_space<vmem>> -> memref<1x8x2048xf32, #tpu.memory_space<vmem>>
    %dma_wait3A_556 = tpu.memref_squeeze %dma_wait3A_555 : memref<1x8x2048xf32, #tpu.memory_space<vmem>> -> memref<8x2048xf32, #tpu.memory_space<vmem>>
    tpu.wait_dma2 semaphore(%arg6 : memref<!tpu.dma_semaphore, #tpu.memory_space<semaphore_mem>>) src(%dma_wait3A_556 : memref<8x2048xf32, #tpu.memory_space<vmem>>) dst(%dma_wait3A_552 : memref<8x2048xf32, #tpu.memory_space<hbm>>)
    %dma_wait3A_557 = arith.constant 0 : i32
    %dma_wait3A_558 = arith.constant 0 : i32
    %dma_wait3A_559 = arith.constant 0 : i32
    %dma_wait3A_560 = arith.constant 0 : i32
    %dma_wait3A_561 = tpu.memref_slice %arg5[%dma_wait3A_557, %dma_wait3A_559, %dma_wait3A_560] : memref<2x8x3968xf32, #tpu.memory_space<vmem>> -> memref<1x8x2048xf32, #tpu.memory_space<vmem>>
    %dma_wait3A_562 = tpu.memref_squeeze %dma_wait3A_561 : memref<1x8x2048xf32, #tpu.memory_space<vmem>> -> memref<8x2048xf32, #tpu.memory_space<vmem>>
    %dma_wait3A_563 = arith.constant 0 : i32
    %dma_wait3A_564 = arith.constant 0 : i32
    %dma_wait3A_565 = tpu.memref_slice %arg3[%dma_wait3A_558, %dma_wait3A_563, %dma_wait3A_564] : memref<16x2048x2048xf32, #tpu.memory_space<hbm>> -> memref<1x8x2048xf32, #tpu.memory_space<hbm>>
    %dma_wait3A_566 = tpu.memref_squeeze %dma_wait3A_565 : memref<1x8x2048xf32, #tpu.memory_space<hbm>> -> memref<8x2048xf32, #tpu.memory_space<hbm>>
    %dma_wait3A_567 = arith.constant 0 : i32
    %dma_wait3A_568 = arith.constant 0 : i32
    %dma_wait3A_569 = tpu.memref_slice %arg3[%dma_wait3A_558, %dma_wait3A_567, %dma_wait3A_568] : memref<16x2048x2048xf32, #tpu.memory_space<hbm>> -> memref<1x8x2048xf32, #tpu.memory_space<hbm>>
    %dma_wait3A_570 = tpu.memref_squeeze %dma_wait3A_569 : memref<1x8x2048xf32, #tpu.memory_space<hbm>> -> memref<8x2048xf32, #tpu.memory_space<hbm>>
    %dma_wait3A_571 = arith.constant 0 : i32
    %dma_wait3A_572 = arith.constant 0 : i32
    %dma_wait3A_573 = tpu.memref_slice %arg5[%dma_wait3A_557, %dma_wait3A_571, %dma_wait3A_572] : memref<2x8x3968xf32, #tpu.memory_space<vmem>> -> memref<1x8x2048xf32, #tpu.memory_space<vmem>>
    %dma_wait3A_574 = tpu.memref_squeeze %dma_wait3A_573 : memref<1x8x2048xf32, #tpu.memory_space<vmem>> -> memref<8x2048xf32, #tpu.memory_space<vmem>>
    tpu.wait_dma2 semaphore(%arg6 : memref<!tpu.dma_semaphore, #tpu.memory_space<semaphore_mem>>) src(%dma_wait3A_574 : memref<8x2048xf32, #tpu.memory_space<vmem>>) dst(%dma_wait3A_570 : memref<8x2048xf32, #tpu.memory_space<hbm>>)
    %dma_wait3A_575 = arith.constant 0 : i32
    %dma_wait3A_576 = arith.constant 0 : i32
    %dma_wait3A_577 = arith.constant 0 : i32
    %dma_wait3A_578 = arith.constant 0 : i32
    %dma_wait3A_579 = tpu.memref_slice %arg5[%dma_wait3A_575, %dma_wait3A_577, %dma_wait3A_578] : memref<2x8x3968xf32, #tpu.memory_space<vmem>> -> memref<1x8x2048xf32, #tpu.memory_space<vmem>>
    %dma_wait3A_580 = tpu.memref_squeeze %dma_wait3A_579 : memref<1x8x2048xf32, #tpu.memory_space<vmem>> -> memref<8x2048xf32, #tpu.memory_space<vmem>>
    %dma_wait3A_581 = arith.constant 0 : i32
    %dma_wait3A_582 = arith.constant 0 : i32
    %dma_wait3A_583 = tpu.memref_slice %arg3[%dma_wait3A_576, %dma_wait3A_581, %dma_wait3A_582] : memref<16x2048x2048xf32, #tpu.memory_space<hbm>> -> memref<1x8x2048xf32, #tpu.memory_space<hbm>>
    %dma_wait3A_584 = tpu.memref_squeeze %dma_wait3A_583 : memref<1x8x2048xf32, #tpu.memory_space<hbm>> -> memref<8x2048xf32, #tpu.memory_space<hbm>>
    %dma_wait3A_585 = arith.constant 0 : i32
    %dma_wait3A_586 = arith.constant 0 : i32
    %dma_wait3A_587 = tpu.memref_slice %arg3[%dma_wait3A_576, %dma_wait3A_585, %dma_wait3A_586] : memref<16x2048x2048xf32, #tpu.memory_space<hbm>> -> memref<1x8x2048xf32, #tpu.memory_space<hbm>>
    %dma_wait3A_588 = tpu.memref_squeeze %dma_wait3A_587 : memref<1x8x2048xf32, #tpu.memory_space<hbm>> -> memref<8x2048xf32, #tpu.memory_space<hbm>>
    %dma_wait3A_589 = arith.constant 0 : i32
    %dma_wait3A_590 = arith.constant 0 : i32
    %dma_wait3A_591 = tpu.memref_slice %arg5[%dma_wait3A_575, %dma_wait3A_589, %dma_wait3A_590] : memref<2x8x3968xf32, #tpu.memory_space<vmem>> -> memref<1x8x2048xf32, #tpu.memory_space<vmem>>
    %dma_wait3A_592 = tpu.memref_squeeze %dma_wait3A_591 : memref<1x8x2048xf32, #tpu.memory_space<vmem>> -> memref<8x2048xf32, #tpu.memory_space<vmem>>
    tpu.wait_dma2 semaphore(%arg6 : memref<!tpu.dma_semaphore, #tpu.memory_space<semaphore_mem>>) src(%dma_wait3A_592 : memref<8x2048xf32, #tpu.memory_space<vmem>>) dst(%dma_wait3A_588 : memref<8x2048xf32, #tpu.memory_space<hbm>>)
    %dma_wait3A_593 = arith.constant 0 : i32
    %dma_wait3A_594 = arith.constant 0 : i32
    %dma_wait3A_595 = arith.constant 0 : i32
    %dma_wait3A_596 = arith.constant 0 : i32
    %dma_wait3A_597 = tpu.memref_slice %arg5[%dma_wait3A_593, %dma_wait3A_595, %dma_wait3A_596] : memref<2x8x3968xf32, #tpu.memory_space<vmem>> -> memref<1x8x2048xf32, #tpu.memory_space<vmem>>
    %dma_wait3A_598 = tpu.memref_squeeze %dma_wait3A_597 : memref<1x8x2048xf32, #tpu.memory_space<vmem>> -> memref<8x2048xf32, #tpu.memory_space<vmem>>
    %dma_wait3A_599 = arith.constant 0 : i32
    %dma_wait3A_600 = arith.constant 0 : i32
    %dma_wait3A_601 = tpu.memref_slice %arg3[%dma_wait3A_594, %dma_wait3A_599, %dma_wait3A_600] : memref<16x2048x2048xf32, #tpu.memory_space<hbm>> -> memref<1x8x2048xf32, #tpu.memory_space<hbm>>
    %dma_wait3A_602 = tpu.memref_squeeze %dma_wait3A_601 : memref<1x8x2048xf32, #tpu.memory_space<hbm>> -> memref<8x2048xf32, #tpu.memory_space<hbm>>
    %dma_wait3A_603 = arith.constant 0 : i32
    %dma_wait3A_604 = arith.constant 0 : i32
    %dma_wait3A_605 = tpu.memref_slice %arg3[%dma_wait3A_594, %dma_wait3A_603, %dma_wait3A_604] : memref<16x2048x2048xf32, #tpu.memory_space<hbm>> -> memref<1x8x2048xf32, #tpu.memory_space<hbm>>
    %dma_wait3A_606 = tpu.memref_squeeze %dma_wait3A_605 : memref<1x8x2048xf32, #tpu.memory_space<hbm>> -> memref<8x2048xf32, #tpu.memory_space<hbm>>
    %dma_wait3A_607 = arith.constant 0 : i32
    %dma_wait3A_608 = arith.constant 0 : i32
    %dma_wait3A_609 = tpu.memref_slice %arg5[%dma_wait3A_593, %dma_wait3A_607, %dma_wait3A_608] : memref<2x8x3968xf32, #tpu.memory_space<vmem>> -> memref<1x8x2048xf32, #tpu.memory_space<vmem>>
    %dma_wait3A_610 = tpu.memref_squeeze %dma_wait3A_609 : memref<1x8x2048xf32, #tpu.memory_space<vmem>> -> memref<8x2048xf32, #tpu.memory_space<vmem>>
    tpu.wait_dma2 semaphore(%arg6 : memref<!tpu.dma_semaphore, #tpu.memory_space<semaphore_mem>>) src(%dma_wait3A_610 : memref<8x2048xf32, #tpu.memory_space<vmem>>) dst(%dma_wait3A_606 : memref<8x2048xf32, #tpu.memory_space<hbm>>)
    return
  }
}

</mosaic_0001>

<sc_bundles>
// kernel: kernel.3.cloned.1.call-start
scs
__scs_entry_jumppad:
0x0: {  	(pc) =	sbr.rel $0x88, $3  }
0x1: {  	(tag) =	ssettag $0x0;
	lr =	simm.s32 $0x1  }
0x2: {  	[smem:$0x3FA0] =	sst lr;
	_ =	strace $0xD0000000  }
0x3: {  	_ = 	snop  }
0x4: {  	_ = 	snop  }
0x5: {  	_ = 	snop  }
0x6: {  	_ = 	snop  }
0x7: {  	_ = 	snop  }
__scs_overlays_trampoline_lowered:
0x8: {  	[smem:$0x3FAF] =	sst s0  }
0x9: {  	[smem:$0x3FB0] =	sst s1  }
0xa: {  	[smem:$0x3FB1] =	sst s2  }
0xb: {  	[smem:$0x3FB2] =	sst s3  }
0xc: {  	[smem:$0x3FB3] =	sst s4  }
0xd: {  	[smem:$0x3FB4] =	sst s5  }
0xe: {  	[smem:$0x3FB5] =	sst s6  }
0xf: {  	[smem:$0x3FB6] =	sst s7  }
0x10: {  	[smem:$0x3FB7] =	sst s8  }
0x11: {  	[smem:$0x3FB8] =	sst s9;
	s0 =	simm.s32 @!p0 $0x0  }
0x12: {  	s1 =	sld [smem:$0x3F9E];
	s0 =	simm.s32 @p0 $0x1  }
0x13: {  	[smem:$0x3FB9] =	sst s0;
	s0 =	simm.s32 @!p1 $0x0  }
0x14: {  	s2 =	sld [smem:$0x3F9D];
	s0 =	simm.s32 @p1 $0x1  }
0x15: {  	[smem:$0x3FBA] =	sst s0;
	s0 =	simm.s32 @!p2 $0x0  }
0x16: {  	s3 =	sld [smem:$0x3FDB];
	s0 =	simm.s32 @p2 $0x1  }
0x17: {  	s4 =	simm.s32 $0x1BF5;
	[smem:$0x3FBC] =	sst s0  }
0x18: {  	s0 =	sld [smem:$0x3F9F];
	_ =	swait.ge [sflag:s4], $0x0  }
0x19: {  	s7 =	sld [smem:$0x3FA0]  }
0x1a: {  	s8 =	sadd.s32 $0xFFFFE003, lr  }
0x1b: {  	s9 =	sadd.s32 $0xFFFFFEF7, lr;
	s5 =	simm.s32 $0xFFFFFFFF;
	p2 =	slt.u32 s8, $0xFFFFF086  }
0x1c: {  	p1 =	slt.u32 s9, $0xF7A;
	s5 =	simm.s32 @!p2 $0x0  }
0x1d: {  	s5 =	simm.s32 @p1 $0x1;
	p0 =	seq.s32 s7, s2  }
0x1e: {  	s7 =	smul.u32 @!p0 $0xF7A, s2;
	p2 =	seq.s32 @!p0 s5, $0x0  }
0x1f: {  	s9 =	smul.u32 $0xF7A, s1;
	s8 =	simm.s32 @!p0 $0x1BF5;
	p2 =	por !p2, p0  }
0x20: {  	[sflag:s8] =	ssyncset.s32 @!p0 $0xFFFFF086;
	s6 =	sadd.s32 @!p0 s3, s7;
	s7 =	simm.s32 @!p0 $0x108  }
0x21: {  	s3 =	sadd.s32 s3, s9;
	s6 =	sadd.s32 @!p0 $0x88, s6;
	s7 =	simm.s32 @p2 $0x1082  }
0x22: {  	[simem:s7], [sflag:s8] =	dma.local @!p0 [hbm:s6], $0xF7A  }
0x23: {  	s9 =	sor.u32 $0xD0000000, s2;
	s6 =	simm.s32 $0x108;
	_ =	swait.ge @!p0 [sflag:s8], $0x0  }
0x24: {  	s3 =	sadd.s32 $0x88, s3;
	s6 =	simm.s32 @!p1 $0x1082;
	[sflag:s4] =	ssyncset.s32 $0xFFFFF086  }
0x25: {  	[simem:s6], [sflag:s4] =	dma.local [hbm:s3], $0xF7A  }
0x26: {  	[smem:$0x3FA0] =	sst s1;
	(tag) =	ssettag s2;
	_ =	strace s9  }
0x27: {  	s1 =	sld [smem:$0x3FB0]  }
0x28: {  	s2 =	sld [smem:$0x3FB1]  }
0x29: {  	s4 =	sld [smem:$0x3FB3]  }
0x2a: {  	p0 =	seq.s32 s5, $0x0;
	s5 =	sld [smem:$0x3FB4]  }
0x2b: {  	s6 =	sld [smem:$0x3FB5]  }
0x2c: {  	s7 =	sld [smem:$0x3FB6]  }
0x2d: {  	s3 =	simm.s32 $0x108;
	s8 =	sld [smem:$0x3FB7]  }
0x2e: {  	s3 =	simm.s32 @!p0 $0x1082;
	s9 =	sld [smem:$0x3FB8]  }
0x2f: {  	lr =	sadd.s32 s0, s3;
	s0 =	sld [smem:$0x3FAF]  }
0x30: {  	s3 =	sld [smem:$0x3FB2]  }
0x31: {  	[smem:$0x3FBB] =	sst s10  }
0x32: {  	s10 =	sld [smem:$0x3FB9];
	_ =	sdelay $0x3  }
0x33: {  	p0 =	seq.s32 s10, $0x1;
	s10 =	sld [smem:$0x3FBB];
	_ =	sdelay $0x3  }
0x34: {  	[smem:$0x3FBB] =	sst s10  }
0x35: {  	s10 =	sld [smem:$0x3FBA];
	_ =	sdelay $0x3  }
0x36: {  	p1 =	seq.s32 s10, $0x1;
	s10 =	sld [smem:$0x3FBB];
	_ =	sdelay $0x3  }
0x37: {  	[smem:$0x3FBB] =	sst s10  }
0x38: {  	s10 =	sld [smem:$0x3FBC]  }
0x39: {  	_ = 	snop;
	(pc) =	sbr.ind lr, $3  }
0x3a: {  	_ = 	snop  }
0x3b: {  	_ = 	snop  }
0x3c: {  	p2 =	seq.s32 s10, $0x1;
	s10 =	sld [smem:$0x3FBB]  }
0x3d: {  	_ =	shalt  }
0x3e: {  	_ =	shalt  }
0x3f: {  	_ =	shalt  }
0x40: {  	_ =	shalt  }
0x41: {  	_ =	shalt  }
0x42: {  	_ =	shalt  }
0x43: {  	_ =	shalt  }
0x44: {  	_ =	shalt  }
0x45: {  	_ =	shalt  }
0x46: {  	_ =	shalt  }
0x47: {  	_ =	shalt  }
0x48: {  	_ =	shalt  }
0x49: {  	_ =	shalt  }
0x4a: {  	_ =	shalt  }
0x4b: {  	_ =	shalt  }
0x4c: {  	_ =	shalt  }
0x4d: {  	_ =	shalt  }
0x4e: {  	_ =	shalt  }
0x4f: {  	_ =	shalt  }
0x50: {  	_ =	shalt  }
0x51: {  	_ =	shalt  }
0x52: {  	_ =	shalt  }
0x53: {  	_ =	shalt  }
0x54: {  	_ =	shalt  }
0x55: {  	_ =	shalt  }
0x56: {  	_ =	shalt  }
0x57: {  	_ =	shalt  }
0x58: {  	_ =	shalt  }
0x59: {  	_ =	shalt  }
0x5a: {  	_ =	shalt  }
0x5b: {  	_ =	shalt  }
0x5c: {  	_ =	shalt  }
0x5d: {  	_ =	shalt  }
0x5e: {  	_ =	shalt  }
0x5f: {  	_ =	shalt  }
0x60: {  	_ =	shalt  }
0x61: {  	_ =	shalt  }
0x62: {  	_ =	shalt  }
0x63: {  	_ =	shalt  }
0x64: {  	_ =	shalt  }
0x65: {  	_ =	shalt  }
0x66: {  	_ =	shalt  }
0x67: {  	_ =	shalt  }
0x68: {  	_ =	shalt  }
0x69: {  	_ =	shalt  }
0x6a: {  	_ =	shalt  }
0x6b: {  	_ =	shalt  }
0x6c: {  	_ =	shalt  }
0x6d: {  	_ =	shalt  }
0x6e: {  	_ =	shalt  }
0x6f: {  	_ =	shalt  }
0x70: {  	_ =	shalt  }
0x71: {  	_ =	shalt  }
0x72: {  	_ =	shalt  }
0x73: {  	_ =	shalt  }
0x74: {  	_ =	shalt  }
0x75: {  	_ =	shalt  }
0x76: {  	_ =	shalt  }
0x77: {  	_ =	shalt  }
0x78: {  	_ =	shalt  }
0x79: {  	_ =	shalt  }
0x7a: {  	_ =	shalt  }
0x7b: {  	_ =	shalt  }
0x7c: {  	_ =	shalt  }
0x7d: {  	_ =	shalt  }
0x7e: {  	_ =	shalt  }
0x7f: {  	_ =	shalt  }
0x80: {  	_ =	shalt  }
0x81: {  	_ =	shalt  }
0x82: {  	_ =	shalt  }
0x83: {  	_ =	shalt  }
0x84: {  	_ =	shalt  }
0x85: {  	_ =	shalt  }
0x86: {  	_ =	shalt  }
0x87: {  	_ =	shalt  }
.Lfunc_end0:
.L_simem_size_0:
called_computation_lowered:
.L_overlay_start_0:
0x88: {  	s2 =	sld [smem:$0x3FD9]  }
0x89: {  	s3 =	sld [smem:$0x3FFE];
	_ =	sdelay $0x1  }
0x8a: {  	s1 =	srdreg.scid  }
0x8b: {  	s0 =	sand.u32 $0x1, s1  }
0x8c: {  	s17 =	sshll.u32 s0, $0xA;
	s2 =	sadd.s32 s3, s2  }
0x8d: {  	s2 =	sadd.s32 s2, s17  }
0x8e: {  	[smem:$0x3FC7] =	sst s2  }
0x8f: {  	_ = 	snop  }
0x90: {  	s2 =	sld [smem:$0x3FD0];
	(tm) =	ssettm $0x1  }
0x91: {  	s18 =	sld [smem:$0x3FFB];
	_ =	sdelay $0x3  }
0x92: {  	_ =	strace s18  }
0x93: {  	s3 =	sld [smem:$0x3FFC];
	_ =	sdelay $0x3  }
0x94: {  	_ =	strace s3  }
0x95: {  	s3 =	sld [smem:$0x3FFD];
	_ =	sdelay $0x3  }
0x96: {  	_ =	strace s3  }
0x97: {  	_ =	strace $0x8FFFFFFF  }
0x98: {  	s19 =	sld [smem:$0x3FDB];
	_ =	sdelay $0x1  }
0x99: {  	s4 =	simm.s32 $_scs_section_size  }
0x9a: {  	s5 =	simm.s32 $_size__tile_overlayer_lowered;
	s6 =	simm.s32 $_tile_overlayer_lowered  }
0x9b: {  	s22 =	simm.s32 $0x1BFF;
	s21 =	sshll.u32 s6, $0x1;
	s3 =	sadd.s32 s4, s19  }
0x9c: {  	s7 =	simm.s32 $0x0;
	s20 =	sshll.u32 s5, $0x1;
	s5 =	sadd.s32 s21, s3  }
0x9d: {  	[timem:s7], [sflag:s22] =	dma.local [hbm:s5], s20  }
0x9e: {  	_ =	swait.ge [sflag:s22], s20  }
0x9f: {  	s4 =	ssub.s32 $0x0, s20;
	[sflag:s22] =	ssyncset.done $0x0  }
0xa0: {  	[sflag:s22] =	ssyncadd.s32 s4;
	_ =	sdelay $0x1  }
0xa1: {  	s23 =	simm.s32 $0x1B8B  }
0xa2: {  	_ =	swait.ge [sflag:s23], $0x1  }
0xa3: {  	[sflag:s23] =	ssyncset.done $0x0  }
0xa4: {  	s25 =	simm.s32 $0x1B8E;
	s24 =	sld [smem:$0x3FFE];
	[sflag:s23] =	ssyncadd.s32 $0xFFFFFFFF  }
0xa5: {  	s26 =	simm.s32 $execute0_lowered;
	[smem:$0x3FD2] =	sst s25  }
0xa6: {  	s5 =	sshll.u32 s26, $0x1;
	_ =	strace $0x80000046;
	[dreg:$0x1] =	wrdreg $0xFFFFFFFF  }
0xa7: {  	s28 =	simm.s32 $_size_execute0_lowered;
	s3 =	sadd.s32 s3, s5;
	[dreg:$0x0] =	wrdreg $0x0  }
0xa8: {  	s5 =	sshll.u32 s28, $0x1;
	[dreg:$0x2] =	wrdreg s3  }
0xa9: {  	[dreg:$0x3] =	wrdreg s5  }
0xaa: {  	[dreg:$0x4] =	wrdreg $0xC0  }
0xab: {  	_ =	task [dreg:s7], $0x5FFFF  }
0xac: {  	[dreg:$0x1] =	wrdreg $0xFFFFFFFF  }
0xad: {  	[dreg:$0x0] =	wrdreg $0x60  }
0xae: {  	[dreg:$0x2] =	wrdreg s24  }
0xaf: {  	[dreg:$0x3] =	wrdreg s2  }
0xb0: {  	[dreg:$0x4] =	wrdreg $0x9  }
0xb1: {  	_ =	task.clear_ibuf [dreg:s7], $0x5FFFF;
	_ =	strace $0x90000046  }
0xb2: {  	s29 =	simm.s32 $0x9;
	_ =	strace $0x80000048  }
0xb3: {  	_ =	swait.ge [sflag:s29], $0x1  }
0xb4: {  	[sflag:s29] =	ssyncadd.s32 $0xFFFFFFFF  }
0xb5: {  	_ =	strace $0x90000048  }
0xb6: {  	_ =	sfence  }
0xb7: {  	s30 =	sld [smem:$0x0];
	_ =	sdelay $0x2  }
0xb8: {  	s31 =	sshll.u32 s1, $0xD;
	s1 =	sshrl.u32 s1, $0x2  }
0xb9: {  	s3 =	sand.u32 $0x4000, s31;
	s1 =	sadd.s32 s1, s30  }
0xba: {  	s0 =	sor.u32 s3, s0;
	s1 =	sshll.u32 s1, $0x11  }
0xbb: {  	s0 =	sor.u32 s1, s0  }
0xbc: {  	s0 =	sadd.s32 $0x8F2B, s0  }
0xbd: {  	[sflag:s0] =	ssyncadd.remote.s32 $0x1  }
0xbe: {  	_ =	sfence.sel $0xFFFF  }
0xbf: {  	[dreg:$0x0] =	wrdreg $0xFFFFFFFF;
	(pc) =	sbr.abs _section_cstart, $3  }
0xc0: {  	[dreg:$0x1] =	wrdreg $0xFFFFFFFF  }
0xc1: {  	_ =	task.clear_ibuf [dreg:s7], $0x2FFFF;
	_ =	strace $0x9FFFFFFF  }
0xc2: {  	(tm) =	ssettm $0x7FFFFFFF  }
0xc3: {  	_ =	shalt  }
tec
execute0_lowered:
.L_overlay_start_1:
0x0: {  	(tag) =	ssettag $0x1  }
0x1: {  	s0 =	srdreg.scid  }
0x2: {  	s0 =	sand.u32 $0x1, s0  }
0x3: {  	s8 =	stileid.u32;
	s3 =	simm.s32 $0x1;
	s1 =	sshll.u32 s0, $0x4  }
0x4: {  	s5 =	rddreg [dreg:$0x0];
	s6 =	sand.u32 $0x1, s8;
	s1 =	sor.u32 s8, s1  }
0x5: {  	s2 =	rddreg [dreg:$0x1];
	p1 =	seq.s32 s6, $0x1;
	p0 =	seq.s32 s1, $0x0  }
0x6: {  	s0 =	ssub.s32 $0x2, s0;
	s30 =	sshll.u32 s6, $0x3;
	p0 =	por !p0, !p1  }
0x7: {  	s28 =	sshrl.u32 s0, $0x1;
	s8 =	sshll.u32 s8, $0x3;
	p0 =	por !p0, !p0  }
0x8: {  	s1 =	sshrl.u32 s1, $0x1;
	s0 =	ssub.s32 s0, s28;
	s3 =	simm.s32 @!p0 $0x0  }
0x9: {  	s31 =	sxor.u32 $0x8F, s30;
	s0 =	smax.u32 s0, $0x1;
	s1 =	ssub.s32 s1, s3  }
0xa: {  	s3 =	simm.s32 $0x0;
	s4 =	sshll.u32 s1, $0xC;
	s7 =	sshll.u32 s1, $0x7  }
0xb: {  	[smem:$0x7FF] =	sst s3;
	s4 =	sand.u32 $0xFFFF8000, s4;
	s7 =	sand.u32 $0x380, s7  }
0xc: {  	_ =	strace $0x80000047;
	[dreg:$0x4] =	wrdreg s0;
	s4 =	sor.u32 s7, s4  }
0xd: {  	[dreg:$0x5] =	wrdreg s31;
	s7 =	sshrl.u32 s4, $0x3;
	s4 =	simm.s32 $0x1  }
0xe: {  	s7 =	sadd.s32 s7, s5;
	s5 =	sshll.u32 s1, $0x16;
	s1 =	simm.s32 $0x0  }
0xf: {  	s29 =	sadd.s32 $0x400, s7;
	s7 =	sand.u32 $0x8, s8;
	s8 =	sor.u32 $0x40000, s5  }
0x10: {  	s9 =	sor.u32 $0x80000, s5;
	s10 =	sor.u32 $0xC0000, s5;
	s11 =	sor.u32 $0x100000, s5  }
0x11: {  	s12 =	sor.u32 $0x140000, s5;
	s13 =	sor.u32 $0x180000, s5;
	s14 =	sor.u32 $0x1C0000, s5  }
0x12: {  	s15 =	sor.u32 $0x200000, s5;
	s16 =	sor.u32 $0x240000, s5;
	s17 =	sor.u32 $0x280000, s5  }
0x13: {  	s18 =	sor.u32 $0x2C0000, s5;
	s19 =	sor.u32 $0x300000, s5;
	s20 =	sor.u32 $0x340000, s5  }
0x14: {  	s21 =	sor.u32 $0x380000, s5;
	s22 =	sor.u32 $0x3C0000, s5;
	[dreg:$0x3] =	wrdreg s29  }
.LBB2_1:
0x15: {  	[dreg:$0x6] =	wrdreg s1  }
0x16: {  	s0 =	rddreg [dreg:$0x3]  }
0x17: {  	s28 =	simm.s32 $0x80;
	s6 =	simm.s32 $0x400;
	s29 =	simm.s32 $0x2  }
0x18: {  	[tilespmem:s3], [sflag:$0x2] =	stream.strided.gather [hbm4b:s0+s28], $0x1000, s6, s28, $0x38;
	[tilespmem:$0x10800] =	vst v63  }
0x19: {  	_ =	swait.ge [sflag:s29], $0x1000  }
0x1a: {  	[sflag:s29] =	ssyncset.done $0x0  }
0x1b: {  	s31 =	simm.s32 $0x0;
	s30 =	rddreg [dreg:$0x5];
	[sflag:s29] =	ssyncadd.s32 $0xFFFFF000  }
.LBB2_2:
0x1c: {  	p0 =	slt.u32 s31, $0x2  }
0x1d: {  	s0 =	simm.s32 @!p0 $0x1  }
0x1e: {  	_ =	swait.ge @!p0 [sflag:s0], $0x4000  }
0x1f: {  	[sflag:s0] =	ssyncset.done @!p0 $0x0  }
0x20: {  	[sflag:s0] =	ssyncadd.s32 @!p0 $0xFFFFC000  }
0x21: {  	_ =	swait.ge @!p0 [sflag:s0], $0x4000  }
0x22: {  	[sflag:s0] =	ssyncset.done @!p0 $0x0  }
0x23: {  	[sflag:s0] =	ssyncadd.s32 @!p0 $0xFFFFC000  }
0x24: {  	_ =	swait.ge @!p0 [sflag:s0], $0x4000  }
0x25: {  	[sflag:s0] =	ssyncset.done @!p0 $0x0  }
0x26: {  	[sflag:s0] =	ssyncadd.s32 @!p0 $0xFFFFC000  }
0x27: {  	_ =	swait.ge @!p0 [sflag:s0], $0x4000  }
0x28: {  	[sflag:s0] =	ssyncset.done @!p0 $0x0  }
0x29: {  	[sflag:s0] =	ssyncadd.s32 @!p0 $0xFFFFC000  }
0x2a: {  	_ =	swait.ge @!p0 [sflag:s0], $0x4000  }
0x2b: {  	[sflag:s0] =	ssyncset.done @!p0 $0x0  }
0x2c: {  	[sflag:s0] =	ssyncadd.s32 @!p0 $0xFFFFC000  }
0x2d: {  	_ =	swait.ge @!p0 [sflag:s0], $0x4000  }
0x2e: {  	[sflag:s0] =	ssyncset.done @!p0 $0x0  }
0x2f: {  	[sflag:s0] =	ssyncadd.s32 @!p0 $0xFFFFC000  }
0x30: {  	_ =	swait.ge @!p0 [sflag:s0], $0x4000  }
0x31: {  	[sflag:s0] =	ssyncset.done @!p0 $0x0  }
0x32: {  	[sflag:s0] =	ssyncadd.s32 @!p0 $0xFFFFC000  }
0x33: {  	_ =	swait.ge @!p0 [sflag:s0], $0x4000  }
0x34: {  	[sflag:s0] =	ssyncset.done @!p0 $0x0  }
0x35: {  	[sflag:s0] =	ssyncadd.s32 @!p0 $0xFFFFC000  }
0x36: {  	_ =	swait.ge @!p0 [sflag:s0], $0x4000  }
0x37: {  	[sflag:s0] =	ssyncset.done @!p0 $0x0  }
0x38: {  	[sflag:s0] =	ssyncadd.s32 @!p0 $0xFFFFC000  }
0x39: {  	_ =	swait.ge @!p0 [sflag:s0], $0x4000  }
0x3a: {  	[sflag:s0] =	ssyncset.done @!p0 $0x0  }
0x3b: {  	[sflag:s0] =	ssyncadd.s32 @!p0 $0xFFFFC000  }
0x3c: {  	_ =	swait.ge @!p0 [sflag:s0], $0x4000  }
0x3d: {  	[sflag:s0] =	ssyncset.done @!p0 $0x0  }
0x3e: {  	[sflag:s0] =	ssyncadd.s32 @!p0 $0xFFFFC000  }
0x3f: {  	_ =	swait.ge @!p0 [sflag:s0], $0x4000  }
0x40: {  	[sflag:s0] =	ssyncset.done @!p0 $0x0  }
0x41: {  	[sflag:s0] =	ssyncadd.s32 @!p0 $0xFFFFC000  }
0x42: {  	_ =	swait.ge @!p0 [sflag:s0], $0x4000  }
0x43: {  	[sflag:s0] =	ssyncset.done @!p0 $0x0  }
0x44: {  	[sflag:s0] =	ssyncadd.s32 @!p0 $0xFFFFC000  }
0x45: {  	_ =	swait.ge @!p0 [sflag:s0], $0x4000  }
0x46: {  	[sflag:s0] =	ssyncset.done @!p0 $0x0  }
0x47: {  	[sflag:s0] =	ssyncadd.s32 @!p0 $0xFFFFC000  }
0x48: {  	_ =	swait.ge @!p0 [sflag:s0], $0x4000  }
0x49: {  	[sflag:s0] =	ssyncset.done @!p0 $0x0  }
0x4a: {  	[sflag:s0] =	ssyncadd.s32 @!p0 $0xFFFFC000  }
0x4b: {  	_ =	swait.ge @!p0 [sflag:s0], $0x4000  }
0x4c: {  	[sflag:s0] =	ssyncset.done @!p0 $0x0  }
0x4d: {  	s26 =	sand.u32 $0x1, s31;
	[sflag:s0] =	ssyncadd.s32 @!p0 $0xFFFFC000  }
0x4e: {  	p0 =	seq.s32 s26, $0x1;
	s0 =	simm.s32 $0x7C00;
	v0 =	vld [tilespmem:s30+$0xFFFFFFF0]  }
0x4f: {  	s25 =	simm.s32 $0x0;
	s0 =	simm.s32 @!p0 $0x0  }
0x50: {  	s6 =	sand.u32 $0x7C00, s25;
	s1 =	sadd.s32 $0x1000, s0  }
0x51: {  	s23 =	sand.u32 $0x60, s25;
	s6 =	sadd.s32 s6, s1  }
0x52: {  	s23 =	sadd.s32 s23, s6  }
0x53: {  	[tilespmem:s23+$0x0] =	vst v0  }
0x54: {  	v0 =	vld [tilespmem:s30+$0xFFFFFFEF];
	_ =	sdelay $0x4  }
0x55: {  	[tilespmem:s23+$0x80] =	vst v0  }
0x56: {  	v0 =	vld [tilespmem:s30+$0xFFFFFFEE];
	_ =	sdelay $0x4  }
0x57: {  	[tilespmem:s23+$0x100] =	vst v0  }
0x58: {  	v0 =	vld [tilespmem:s30+$0xFFFFFFED];
	_ =	sdelay $0x4  }
0x59: {  	[tilespmem:s23+$0x180] =	vst v0  }
0x5a: {  	v0 =	vld [tilespmem:s30+$0xFFFFFFEC];
	_ =	sdelay $0x4  }
0x5b: {  	[tilespmem:s23+$0x200] =	vst v0  }
0x5c: {  	v0 =	vld [tilespmem:s30+$0xFFFFFFEB];
	_ =	sdelay $0x4  }
0x5d: {  	[tilespmem:s23+$0x280] =	vst v0  }
0x5e: {  	v0 =	vld [tilespmem:s30+$0xFFFFFFEA];
	_ =	sdelay $0x4  }
0x5f: {  	[tilespmem:s23+$0x300] =	vst v0  }
0x60: {  	v0 =	vld [tilespmem:s30+$0xFFFFFFE9];
	_ =	sdelay $0x4  }
0x61: {  	[tilespmem:s23+$0x380] =	vst v0  }
0x62: {  	v0 =	vld [tilespmem:s30+$0x0];
	_ =	sdelay $0x1  }
0x63: {  	s28 =	simm.s32 $0x10  }
0x64: {  	s23 =	sand.u32 $0x70, s28  }
0x65: {  	s23 =	sadd.s32 s23, s6  }
0x66: {  	[tilespmem:s23+$0x0] =	vst v0  }
0x67: {  	v0 =	vld [tilespmem:s30+$0xFFFFFFFF];
	_ =	sdelay $0x4  }
0x68: {  	[tilespmem:s23+$0x80] =	vst v0  }
0x69: {  	v0 =	vld [tilespmem:s30+$0xFFFFFFFE];
	_ =	sdelay $0x4  }
0x6a: {  	[tilespmem:s23+$0x100] =	vst v0  }
0x6b: {  	v0 =	vld [tilespmem:s30+$0xFFFFFFFD];
	_ =	sdelay $0x4  }
0x6c: {  	[tilespmem:s23+$0x180] =	vst v0  }
0x6d: {  	v0 =	vld [tilespmem:s30+$0xFFFFFFFC];
	_ =	sdelay $0x4  }
0x6e: {  	[tilespmem:s23+$0x200] =	vst v0  }
0x6f: {  	v0 =	vld [tilespmem:s30+$0xFFFFFFFB];
	_ =	sdelay $0x4  }
0x70: {  	[tilespmem:s23+$0x280] =	vst v0  }
0x71: {  	v0 =	vld [tilespmem:s30+$0xFFFFFFFA];
	_ =	sdelay $0x4  }
0x72: {  	[tilespmem:s23+$0x300] =	vst v0  }
0x73: {  	v0 =	vld [tilespmem:s30+$0xFFFFFFF9];
	_ =	sdelay $0x3  }
0x74: {  	s29 =	sshll.u32 s31, $0x4;
	s24 =	simm.s32 $0x0  }
0x75: {  	s26 =	sor.u32 s7, s29;
	s6 =	simm.s32 $0x0;
	[tilespmem:s23+$0x380] =	vst v0;
	s23 =	sadd.s32 $0x20, s30  }
.LBB2_3:
0x76: {  	v0 =	vld [tilespmem:s23+$0xFFFFFFF0];
	s6 =	sadd.s32 $0x2, s6  }
0x77: {  	s25 =	sadd.s32 $0x100, s25;
	p0 =	slt.u32 s6, $0xF6  }
0x78: {  	s24 =	sadd.s32 $0x20, s24;
	s28 =	sand.u32 $0x7C00, s25  }
0x79: {  	s29 =	sand.u32 $0x60, s24;
	s28 =	sadd.s32 s28, s1  }
0x7a: {  	s29 =	sadd.s32 s29, s28  }
0x7b: {  	[tilespmem:s29+$0x0] =	vst v0  }
0x7c: {  	v0 =	vld [tilespmem:s23+$0xFFFFFFEF];
	_ =	sdelay $0x4  }
0x7d: {  	[tilespmem:s29+$0x80] =	vst v0  }
0x7e: {  	v0 =	vld [tilespmem:s23+$0xFFFFFFEE];
	_ =	sdelay $0x4  }
0x7f: {  	[tilespmem:s29+$0x100] =	vst v0  }
0x80: {  	v0 =	vld [tilespmem:s23+$0xFFFFFFED];
	_ =	sdelay $0x4  }
0x81: {  	[tilespmem:s29+$0x180] =	vst v0  }
0x82: {  	v0 =	vld [tilespmem:s23+$0xFFFFFFEC];
	_ =	sdelay $0x4  }
0x83: {  	[tilespmem:s29+$0x200] =	vst v0  }
0x84: {  	v0 =	vld [tilespmem:s23+$0xFFFFFFEB];
	_ =	sdelay $0x4  }
0x85: {  	[tilespmem:s29+$0x280] =	vst v0  }
0x86: {  	v0 =	vld [tilespmem:s23+$0xFFFFFFEA];
	_ =	sdelay $0x4  }
0x87: {  	[tilespmem:s29+$0x300] =	vst v0  }
0x88: {  	v0 =	vld [tilespmem:s23+$0xFFFFFFE9];
	_ =	sdelay $0x4  }
0x89: {  	[tilespmem:s29+$0x380] =	vst v0  }
0x8a: {  	v0 =	vld [tilespmem:s23+$0x0];
	_ =	sdelay $0x1  }
0x8b: {  	s29 =	sadd.s32 $0x10, s24  }
0x8c: {  	s29 =	sand.u32 $0x70, s29  }
0x8d: {  	s28 =	sadd.s32 s29, s28  }
0x8e: {  	[tilespmem:s28+$0x0] =	vst v0  }
0x8f: {  	v0 =	vld [tilespmem:s23+$0xFFFFFFFF];
	_ =	sdelay $0x4  }
0x90: {  	[tilespmem:s28+$0x80] =	vst v0  }
0x91: {  	v0 =	vld [tilespmem:s23+$0xFFFFFFFE];
	_ =	sdelay $0x4  }
0x92: {  	[tilespmem:s28+$0x100] =	vst v0  }
0x93: {  	v0 =	vld [tilespmem:s23+$0xFFFFFFFD];
	_ =	sdelay $0x4  }
0x94: {  	[tilespmem:s28+$0x180] =	vst v0  }
0x95: {  	v0 =	vld [tilespmem:s23+$0xFFFFFFFC];
	_ =	sdelay $0x4  }
0x96: {  	[tilespmem:s28+$0x200] =	vst v0  }
0x97: {  	v0 =	vld [tilespmem:s23+$0xFFFFFFFB];
	_ =	sdelay $0x4  }
0x98: {  	[tilespmem:s28+$0x280] =	vst v0  }
0x99: {  	v0 =	vld [tilespmem:s23+$0xFFFFFFFA];
	_ =	sdelay $0x4  }
0x9a: {  	[tilespmem:s28+$0x300] =	vst v0  }
0x9b: {  	v0 =	vld [tilespmem:s23+$0xFFFFFFF9]  }
.Ltmp0:
0x9c: {  	(pc) =	sbr.rel @p0 .LBB2_3-.Ltmp0, $2  }
0x9d: {  	_ =	sdelay $0x2  }
0x9e: {  	s23 =	sadd.s32 $0x20, s23;
	[tilespmem:s28+$0x380] =	vst v0  }
0x9f: {  	s6 =	sshll.u32 s26, $0xB  }
0xa0: {  	s23 =	sor.u32 s5, s6  }
0xa1: {  	s23 =	sshrl.u32 s23, $0x3  }
0xa2: {  	s24 =	sadd.s32 $0x4C00, s0;
	s25 =	sor.u32 s8, s6;
	s23 =	sadd.s32 s2, s23  }
0xa3: {  	[hbm4b:s23+s3] =	stream.linear.scatter [tilespmem:s24], [sflag:$0x1], $0x4000, $0x38;
	[tilespmem:$0x10800] =	vst v63  }
0xa4: {  	s23 =	sshrl.u32 s25, $0x3  }
0xa5: {  	s26 =	sadd.s32 $0x4800, s0;
	s28 =	sor.u32 s9, s6;
	s23 =	sadd.s32 s2, s23  }
0xa6: {  	[hbm4b:s23+s3] =	stream.linear.scatter [tilespmem:s26], [sflag:$0x1], $0x4000, $0x38;
	[tilespmem:$0x10800] =	vst v63  }
0xa7: {  	s23 =	sshrl.u32 s28, $0x3  }
0xa8: {  	s29 =	sadd.s32 $0x4400, s0;
	s25 =	sor.u32 s10, s6;
	s23 =	sadd.s32 s2, s23  }
0xa9: {  	[hbm4b:s23+s3] =	stream.linear.scatter [tilespmem:s29], [sflag:$0x1], $0x4000, $0x38;
	[tilespmem:$0x10800] =	vst v63  }
0xaa: {  	s23 =	sshrl.u32 s25, $0x3  }
0xab: {  	s26 =	sadd.s32 $0x4000, s0;
	s28 =	sor.u32 s11, s6;
	s23 =	sadd.s32 s2, s23  }
0xac: {  	[hbm4b:s23+s3] =	stream.linear.scatter [tilespmem:s26], [sflag:$0x1], $0x4000, $0x38;
	[tilespmem:$0x10800] =	vst v63  }
0xad: {  	s23 =	sshrl.u32 s28, $0x3  }
0xae: {  	s29 =	sadd.s32 $0x3C00, s0;
	s25 =	sor.u32 s12, s6;
	s23 =	sadd.s32 s2, s23  }
0xaf: {  	[hbm4b:s23+s3] =	stream.linear.scatter [tilespmem:s29], [sflag:$0x1], $0x4000, $0x38;
	[tilespmem:$0x10800] =	vst v63  }
0xb0: {  	s23 =	sshrl.u32 s25, $0x3  }
0xb1: {  	s26 =	sadd.s32 $0x3800, s0;
	s28 =	sor.u32 s13, s6;
	s23 =	sadd.s32 s2, s23  }
0xb2: {  	[hbm4b:s23+s3] =	stream.linear.scatter [tilespmem:s26], [sflag:$0x1], $0x4000, $0x38;
	[tilespmem:$0x10800] =	vst v63  }
0xb3: {  	s23 =	sshrl.u32 s28, $0x3  }
0xb4: {  	s29 =	sadd.s32 $0x3400, s0;
	s25 =	sor.u32 s14, s6;
	s23 =	sadd.s32 s2, s23  }
0xb5: {  	[hbm4b:s23+s3] =	stream.linear.scatter [tilespmem:s29], [sflag:$0x1], $0x4000, $0x38;
	[tilespmem:$0x10800] =	vst v63  }
0xb6: {  	s23 =	sshrl.u32 s25, $0x3  }
0xb7: {  	s26 =	sadd.s32 $0x3000, s0;
	s28 =	sor.u32 s15, s6;
	s23 =	sadd.s32 s2, s23  }
0xb8: {  	[hbm4b:s23+s3] =	stream.linear.scatter [tilespmem:s26], [sflag:$0x1], $0x4000, $0x38;
	[tilespmem:$0x10800] =	vst v63  }
0xb9: {  	s23 =	sshrl.u32 s28, $0x3  }
0xba: {  	s29 =	sadd.s32 $0x2C00, s0;
	s25 =	sor.u32 s16, s6;
	s23 =	sadd.s32 s2, s23  }
0xbb: {  	[hbm4b:s23+s3] =	stream.linear.scatter [tilespmem:s29], [sflag:$0x1], $0x4000, $0x38;
	[tilespmem:$0x10800] =	vst v63  }
0xbc: {  	s23 =	sshrl.u32 s25, $0x3  }
0xbd: {  	s26 =	sadd.s32 $0x2800, s0;
	s28 =	sor.u32 s17, s6;
	s23 =	sadd.s32 s2, s23  }
0xbe: {  	[hbm4b:s23+s3] =	stream.linear.scatter [tilespmem:s26], [sflag:$0x1], $0x4000, $0x38;
	[tilespmem:$0x10800] =	vst v63  }
0xbf: {  	s23 =	sshrl.u32 s28, $0x3  }
0xc0: {  	s29 =	sadd.s32 $0x2400, s0;
	s25 =	sor.u32 s18, s6;
	s23 =	sadd.s32 s2, s23  }
0xc1: {  	[hbm4b:s23+s3] =	stream.linear.scatter [tilespmem:s29], [sflag:$0x1], $0x4000, $0x38;
	[tilespmem:$0x10800] =	vst v63  }
0xc2: {  	s23 =	sshrl.u32 s25, $0x3  }
0xc3: {  	s26 =	sadd.s32 $0x2000, s0;
	s28 =	sor.u32 s19, s6;
	s23 =	sadd.s32 s2, s23  }
0xc4: {  	[hbm4b:s23+s3] =	stream.linear.scatter [tilespmem:s26], [sflag:$0x1], $0x4000, $0x38;
	[tilespmem:$0x10800] =	vst v63  }
0xc5: {  	s31 =	sadd.s32 $0x1, s31;
	s23 =	sshrl.u32 s28, $0x3  }
0xc6: {  	s24 =	sor.u32 s20, s6;
	s29 =	sadd.s32 $0x1C00, s0;
	s23 =	sadd.s32 s2, s23  }
0xc7: {  	[hbm4b:s23+s3] =	stream.linear.scatter [tilespmem:s29], [sflag:$0x1], $0x4000, $0x38;
	[tilespmem:$0x10800] =	vst v63  }
0xc8: {  	p0 =	sne.s32 s31, $0x8;
	s23 =	sshrl.u32 s24, $0x3  }
0xc9: {  	s25 =	sadd.s32 $0x1800, s0;
	s26 =	sor.u32 s21, s6;
	s23 =	sadd.s32 s2, s23  }
0xca: {  	[hbm4b:s23+s3] =	stream.linear.scatter [tilespmem:s25], [sflag:$0x1], $0x4000, $0x38;
	[tilespmem:$0x10800] =	vst v63  }
.Ltmp1:
0xcb: {  	s29 =	sor.u32 s22, s6;
	s23 =	sshrl.u32 s26, $0x3;
	(pc) =	sbr.rel @p0 .LBB2_2-.Ltmp1, $4  }
0xcc: {  	s28 =	sadd.s32 $0x1400, s0;
	s0 =	sshrl.u32 s29, $0x3;
	s23 =	sadd.s32 s2, s23  }
0xcd: {  	[hbm4b:s23+s3] =	stream.linear.scatter [tilespmem:s28], [sflag:$0x1], $0x4000, $0x38;
	[tilespmem:$0x10800] =	vst v63  }
0xce: {  	s30 =	sadd.s32 $0xFFFFFFF0, s30;
	s0 =	sadd.s32 s2, s0  }
0xcf: {  	[hbm4b:s0+s3] =	stream.linear.scatter [tilespmem:s1], [sflag:$0x1], $0x4000, $0x38;
	[tilespmem:$0x10800] =	vst v63  }
0xd0: {  	_ =	swait.ge [sflag:s4], $0x4000  }
0xd1: {  	[sflag:s4] =	ssyncset.done $0x0  }
0xd2: {  	[sflag:s4] =	ssyncadd.s32 $0xFFFFC000  }
0xd3: {  	_ =	swait.ge [sflag:s4], $0x4000  }
0xd4: {  	[sflag:s4] =	ssyncset.done $0x0  }
0xd5: {  	[sflag:s4] =	ssyncadd.s32 $0xFFFFC000  }
0xd6: {  	_ =	swait.ge [sflag:s4], $0x4000  }
0xd7: {  	[sflag:s4] =	ssyncset.done $0x0  }
0xd8: {  	[sflag:s4] =	ssyncadd.s32 $0xFFFFC000  }
0xd9: {  	_ =	swait.ge [sflag:s4], $0x4000  }
0xda: {  	[sflag:s4] =	ssyncset.done $0x0  }
0xdb: {  	[sflag:s4] =	ssyncadd.s32 $0xFFFFC000  }
0xdc: {  	_ =	swait.ge [sflag:s4], $0x4000  }
0xdd: {  	[sflag:s4] =	ssyncset.done $0x0  }
0xde: {  	[sflag:s4] =	ssyncadd.s32 $0xFFFFC000  }
0xdf: {  	_ =	swait.ge [sflag:s4], $0x4000  }
0xe0: {  	[sflag:s4] =	ssyncset.done $0x0  }
0xe1: {  	[sflag:s4] =	ssyncadd.s32 $0xFFFFC000  }
0xe2: {  	_ =	swait.ge [sflag:s4], $0x4000  }
0xe3: {  	[sflag:s4] =	ssyncset.done $0x0  }
0xe4: {  	[sflag:s4] =	ssyncadd.s32 $0xFFFFC000  }
0xe5: {  	_ =	swait.ge [sflag:s4], $0x4000  }
0xe6: {  	[sflag:s4] =	ssyncset.done $0x0  }
0xe7: {  	[sflag:s4] =	ssyncadd.s32 $0xFFFFC000  }
0xe8: {  	_ =	swait.ge [sflag:s4], $0x4000  }
0xe9: {  	[sflag:s4] =	ssyncset.done $0x0  }
0xea: {  	[sflag:s4] =	ssyncadd.s32 $0xFFFFC000  }
0xeb: {  	_ =	swait.ge [sflag:s4], $0x4000  }
0xec: {  	[sflag:s4] =	ssyncset.done $0x0  }
0xed: {  	[sflag:s4] =	ssyncadd.s32 $0xFFFFC000  }
0xee: {  	_ =	swait.ge [sflag:s4], $0x4000  }
0xef: {  	[sflag:s4] =	ssyncset.done $0x0  }
0xf0: {  	[sflag:s4] =	ssyncadd.s32 $0xFFFFC000  }
0xf1: {  	_ =	swait.ge [sflag:s4], $0x4000  }
0xf2: {  	[sflag:s4] =	ssyncset.done $0x0  }
0xf3: {  	[sflag:s4] =	ssyncadd.s32 $0xFFFFC000  }
0xf4: {  	_ =	swait.ge [sflag:s4], $0x4000  }
0xf5: {  	[sflag:s4] =	ssyncset.done $0x0  }
0xf6: {  	[sflag:s4] =	ssyncadd.s32 $0xFFFFC000  }
0xf7: {  	_ =	swait.ge [sflag:s4], $0x4000  }
0xf8: {  	[sflag:s4] =	ssyncset.done $0x0  }
0xf9: {  	[sflag:s4] =	ssyncadd.s32 $0xFFFFC000  }
0xfa: {  	_ =	swait.ge [sflag:s4], $0x4000  }
0xfb: {  	[sflag:s4] =	ssyncset.done $0x0  }
0xfc: {  	[sflag:s4] =	ssyncadd.s32 $0xFFFFC000  }
0xfd: {  	_ =	swait.ge [sflag:s4], $0x4000  }
0xfe: {  	[sflag:s4] =	ssyncset.done $0x0  }
0xff: {  	[sflag:s4] =	ssyncadd.s32 $0xFFFFC000  }
0x100: {  	_ =	swait.ge [sflag:s4], $0x4000  }
0x101: {  	[sflag:s4] =	ssyncset.done $0x0  }
0x102: {  	[sflag:s4] =	ssyncadd.s32 $0xFFFFC000  }
0x103: {  	_ =	swait.ge [sflag:s4], $0x4000  }
0x104: {  	[sflag:s4] =	ssyncset.done $0x0  }
0x105: {  	[sflag:s4] =	ssyncadd.s32 $0xFFFFC000  }
0x106: {  	_ =	swait.ge [sflag:s4], $0x4000  }
0x107: {  	[sflag:s4] =	ssyncset.done $0x0  }
0x108: {  	[sflag:s4] =	ssyncadd.s32 $0xFFFFC000  }
0x109: {  	_ =	swait.ge [sflag:s4], $0x4000  }
0x10a: {  	[sflag:s4] =	ssyncset.done $0x0  }
0x10b: {  	[sflag:s4] =	ssyncadd.s32 $0xFFFFC000  }
0x10c: {  	_ =	swait.ge [sflag:s4], $0x4000  }
0x10d: {  	[sflag:s4] =	ssyncset.done $0x0  }
0x10e: {  	[sflag:s4] =	ssyncadd.s32 $0xFFFFC000  }
0x10f: {  	_ =	swait.ge [sflag:s4], $0x4000  }
0x110: {  	[sflag:s4] =	ssyncset.done $0x0  }
0x111: {  	[sflag:s4] =	ssyncadd.s32 $0xFFFFC000  }
0x112: {  	_ =	swait.ge [sflag:s4], $0x4000  }
0x113: {  	[sflag:s4] =	ssyncset.done $0x0  }
0x114: {  	[sflag:s4] =	ssyncadd.s32 $0xFFFFC000  }
0x115: {  	_ =	swait.ge [sflag:s4], $0x4000  }
0x116: {  	[sflag:s4] =	ssyncset.done $0x0  }
0x117: {  	[sflag:s4] =	ssyncadd.s32 $0xFFFFC000  }
0x118: {  	_ =	swait.ge [sflag:s4], $0x4000  }
0x119: {  	[sflag:s4] =	ssyncset.done $0x0  }
0x11a: {  	[sflag:s4] =	ssyncadd.s32 $0xFFFFC000  }
0x11b: {  	_ =	swait.ge [sflag:s4], $0x4000  }
0x11c: {  	[sflag:s4] =	ssyncset.done $0x0  }
0x11d: {  	[sflag:s4] =	ssyncadd.s32 $0xFFFFC000  }
0x11e: {  	_ =	swait.ge [sflag:s4], $0x4000  }
0x11f: {  	[sflag:s4] =	ssyncset.done $0x0  }
0x120: {  	[sflag:s4] =	ssyncadd.s32 $0xFFFFC000  }
0x121: {  	_ =	swait.ge [sflag:s4], $0x4000  }
0x122: {  	[sflag:s4] =	ssyncset.done $0x0  }
0x123: {  	[sflag:s4] =	ssyncadd.s32 $0xFFFFC000  }
0x124: {  	_ =	swait.ge [sflag:s4], $0x4000  }
0x125: {  	[sflag:s4] =	ssyncset.done $0x0  }
0x126: {  	[sflag:s4] =	ssyncadd.s32 $0xFFFFC000  }
0x127: {  	_ =	swait.ge [sflag:s4], $0x4000  }
0x128: {  	[sflag:s4] =	ssyncset.done $0x0  }
0x129: {  	[sflag:s4] =	ssyncadd.s32 $0xFFFFC000  }
0x12a: {  	_ =	swait.ge [sflag:s4], $0x4000  }
0x12b: {  	[sflag:s4] =	ssyncset.done $0x0  }
0x12c: {  	[sflag:s4] =	ssyncadd.s32 $0xFFFFC000  }
0x12d: {  	_ =	swait.ge [sflag:s4], $0x4000  }
0x12e: {  	s1 =	rddreg [dreg:$0x6]  }
0x12f: {  	s0 =	rddreg [dreg:$0x4];
	s1 =	sadd.s32 $0x1, s1  }
0x130: {  	p0 =	sne.s32 s1, s0  }
.Ltmp2:
0x131: {  	_ = 	snop;
	(pc) =	sbr.rel @p0 .LBB2_1-.Ltmp2, $3  }
0x132: {  	_ =	sdelay $0x1  }
0x133: {  	[sflag:s4] =	ssyncset.done $0x0  }
0x134: {  	[sflag:s4] =	ssyncadd.s32 $0xFFFFC000  }
0x135: {  	_ =	sfence.sel $0x180000  }
0x136: {  	[bflag:$0x0] =	sbarrier.arrive $0xFFFF  }
0x137: {  	_ =	strace $0x90000047  }
0x138: {  	s0 =	stileid.u32;
	[bflag:$0x2] =	sbarrier.arrive $0xFFFF  }
0x139: {  	p0 =	sne.s32 s0, $0x0;
	s0 =	rddreg [dreg:$0x2]  }
0x13a: {  	s0 =	sadd.s32 @!p0 $0x100000, s0  }
0x13b: {  	[sflag:s0] =	ssyncadd.tile.s32 @!p0 $0x1;
	_ =	shalt  }
.Lfunc_end2:
_tile_overlayer_lowered:
.L_overlay_start_2:
0x13c: {  	(tag) =	ssettag $0x2  }
0x13d: {  	s0 =	rddreg [dreg:$0x0];
	s2 =	stileid.u32  }
0x13e: {  	s1 =	rddreg [dreg:$0x1];
	p0 =	sne.s32 s2, $0x0  }
0x13f: {  	s3 =	rddreg [dreg:$0x2];
	[bflag:$0x3] =	sbarrier.arrive $0xFFFF;
	s2 =	simm.s32 @!p0 $0x1C02  }
0x140: {  	[timem:s3], [sflag:s2] =	dma.local @!p0 [hbm:s0], s1  }
0x141: {  	s0 =	simm.s32 @!p0 $0x2  }
0x142: {  	_ =	swait.ge @!p0 [sflag:s0], s1  }
0x143: {  	s1 =	ssub.s32 @!p0 $0x0, s1;
	[sflag:s0] =	ssyncset.done @!p0 $0x0  }
0x144: {  	[sflag:s0] =	ssyncadd.s32 @!p0 s1  }
0x145: {  	[bflag:$0x3] =	sbarrier.arrive $0xFFFF  }
0x146: {  	_ =	shalt  }

</sc_bundles>
